<compile_context>
chip_gen: v7x
topology: tpu7x:2x2x1
jax: 0.10.2.dev20260603
libtpu: 0.0.44.dev20260713+nightly
codegen_flags: <defaults>
</compile_context>

<pallas_src>
import functools

import jax
import jax.numpy as jnp
from jax import lax
from jax.experimental import pallas as pl
from jax.experimental.pallas import tpu as pltpu
from jax.experimental.pallas import tpu_sc as plsc

L = 200
D = 32
NC, NS = 2, 16
NW = NC * NS

CH = 1024
N_G = CH // 128

TBK = 2048


def _transpose_table(token_table):
    vocab = token_table.shape[0]

    def tbody(in_ref, out_ref):
        blk = in_ref[...]
        t = jnp.transpose(blk, (1, 0))
        t3 = t.reshape(TBK // 4, 4, D)
        for a in range(4):
            out_ref[:, a * D:(a + 1) * D] = t3[:, a, :]

    tok128 = pl.pallas_call(
        tbody,
        out_shape=jax.ShapeDtypeStruct((vocab // 4, 4 * D), jnp.float32),
        grid=((vocab + TBK - 1) // TBK,),
        in_specs=[pl.BlockSpec((D, TBK), lambda j: (0, j))],
        out_specs=pl.BlockSpec((TBK // 4, 4 * D), lambda j: (j, 0)),
    )(token_table.T)
    return tok128.reshape(vocab, D)


def _emb_call(x2d, tok2, pos_table, total_rows):
    rows_per_w = total_rows // NW
    n_chunks = rows_per_w // CH
    idx_rows_w = rows_per_w // 128
    mesh = plsc.VectorSubcoreMesh(core_axis_name="c", subcore_axis_name="s")

    @functools.partial(
        pl.kernel,
        out_type=jax.ShapeDtypeStruct((total_rows, D), jnp.float32),
        mesh=mesh,
        compiler_params=pltpu.CompilerParams(use_tc_tiling_on_sc=False),
        scratch_types=[
            pltpu.VMEM((idx_rows_w, 128), jnp.int32),
            pltpu.VMEM((CH, D), jnp.float32),
            pltpu.VMEM((CH, D), jnp.float32),
            pltpu.VMEM((L, D), jnp.float32),
            pltpu.SemaphoreType.DMA,
            pltpu.SemaphoreType.DMA,
            pltpu.SemaphoreType.DMA,
            pltpu.SemaphoreType.DMA,
        ],
    )
    def body(x_hbm, tok_hbm, pos_hbm, out_hbm, idx_v, r0, r1, pos_v,
             sg0, sg1, st0, st1):
        rows = (r0, r1)
        sem_g = (sg0, sg1)
        sem_st = (st0, st1)
        wid = lax.axis_index("s") * NC + lax.axis_index("c")
        base = wid * rows_per_w
        pltpu.sync_copy(x_hbm.at[pl.ds(wid * idx_rows_w, idx_rows_w)], idx_v)
        pltpu.sync_copy(pos_hbm, pos_v)

        def fire_gathers(c, t):
            for j in range(N_G):
                pltpu.async_copy(
                    tok_hbm.at[idx_v.at[c * N_G + j]],
                    rows[t].at[pl.ds(j * 128, 128)],
                    sem_g[t],
                )

        def drain_gathers(c, s):
            for j in range(N_G):
                pltpu.make_async_copy(
                    tok_hbm.at[idx_v.at[c * N_G + j]],
                    rows[s].at[pl.ds(j * 128, 128)],
                    sem_g[s],
                ).wait()

        def add_pos(c, s):
            phase0 = lax.rem(base + c * CH, L)

            def row(rr, p):
                for h in (0, 16):
                    rows[s][rr, pl.ds(h, 16)] = (
                        rows[s][rr, pl.ds(h, 16)] + pos_v[p, pl.ds(h, 16)]
                    )
                p = p + 1
                return lax.select(p == L, 0, p)

            lax.fori_loop(0, CH, row, phase0)

        def store(c, s):
            pltpu.async_copy(
                rows[s],
                out_hbm.at[pl.ds(base + c * CH, CH)],
                sem_st[s],
            )

        def wait_store(c, s):
            pltpu.make_async_copy(
                rows[s],
                out_hbm.at[pl.ds(base + c * CH, CH)],
                sem_st[s],
            ).wait()

        def _step(c, s, t):
            @pl.when(c + 1 < n_chunks)
            def _prefetch():
                @pl.when(c >= 1)
                def _reuse_guard():
                    wait_store(c - 1, t)

                fire_gathers(c + 1, t)

            drain_gathers(c, s)
            add_pos(c, s)
            store(c, s)

        fire_gathers(0, 0)

        @pl.loop(0, n_chunks)
        def chunks(c):
            @pl.when(lax.rem(c, 2) == 0)
            def _even():
                _step(c, 0, 1)

            @pl.when(lax.rem(c, 2) == 1)
            def _odd():
                _step(c, 1, 0)

        wait_store(n_chunks - 2, (n_chunks - 2) % 2)
        wait_store(n_chunks - 1, (n_chunks - 1) % 2)

    return body(x2d, tok2, pos_table)


def kernel(x, token_table, pos_table):
    batch, maxlen = x.shape
    total_rows = batch * maxlen
    x2d = x.reshape(total_rows // 128, 128)
    tok2 = _transpose_table(token_table)
    out = _emb_call(x2d, tok2, pos_table, total_rows)
    return out.reshape(batch, maxlen, D)

# --- scband reference (transcript-rebuilt; emitter-appended) ---
"""Pipeline reference for scband-token-and-position-embedding-28372553957626 (READ-ONLY COPY).

The authoritative reference and input builder live on the scoring server;
editing this copy changes nothing except your own understanding.
"""

import jax, jax.numpy as jnp
import numpy as np

MAXLEN = 200
VOCAB = 1000000
EMBED_DIM = 32
BATCH = 4096

def setup_inputs(seed: int = 0) -> dict:
    key = jax.random.key(seed)
    k1, k2, k3 = jax.random.split(key, 3)
    x = jax.random.randint(k1, (BATCH, MAXLEN), 0, VOCAB, dtype=jnp.int64 if jax.config.jax_enable_x64 else jnp.int32).astype(jnp.int32)
    token_table = jax.random.normal(k2, (VOCAB, EMBED_DIM), dtype=jnp.float32) * 0.02
    pos_table = jax.random.normal(k3, (MAXLEN, EMBED_DIM), dtype=jnp.float32) * 0.02
    return {"x": x, "token_table": token_table, "pos_table": pos_table}

def reference(x, token_table, pos_table):
    maxlen = x.shape[-1]
    positions = jnp.arange(0, maxlen)
    pos_emb = jnp.take(pos_table, positions, axis=0)  # [maxlen, d]
    tok_emb = jnp.take(token_table, x, axis=0)        # [B, maxlen, d]
    return tok_emb + pos_emb[None, :, :]

if __name__ == "__main__":
    import jax
    _d = setup_inputs()
    print(jax.jit(kernel)(*tuple(_d.values())))

</pallas_src>

<mosaic_0001>
#map = affine_map<(d0, d1) -> (0, 0)>
module attributes {stable_mosaic.version = 14 : i64} {
  func.func @body(%arg0: i32, %arg1: i32, %arg2: memref<6400x128xi32, #tpu.memory_space<hbm>>, %arg3: memref<1000000x32xf32, #tpu.memory_space<hbm>>, %arg4: memref<200x32xf32, #tpu.memory_space<hbm>>, %arg5: memref<819200x32xf32, #tpu.memory_space<hbm>>, %arg6: memref<200x128xi32, #tpu.memory_space<vmem>>, %arg7: memref<1024x32xf32, #tpu.memory_space<vmem>>, %arg8: memref<1024x32xf32, #tpu.memory_space<vmem>>, %arg9: memref<200x32xf32, #tpu.memory_space<vmem>>, %arg10: memref<!tpu.dma_semaphore, #tpu.memory_space<semaphore_mem>>, %arg11: memref<!tpu.dma_semaphore, #tpu.memory_space<semaphore_mem>>, %arg12: memref<!tpu.dma_semaphore, #tpu.memory_space<semaphore_mem>>, %arg13: memref<!tpu.dma_semaphore, #tpu.memory_space<semaphore_mem>>) attributes {dimension_semantics = [#tpu.dimension_semantics<core_parallel>, #tpu.dimension_semantics<subcore_parallel>], iteration_bounds = array<i64: 2, 16>, scalar_prefetch = 0 : i64, scratch_operands = 8 : i64, tpu.core_type = #tpu.core_type<sc_vector_subcore>, window_params = [{transform_indices = #map}, {transform_indices = #map}, {transform_indices = #map}, {transform_indices = #map}]} {
    %mul3A = arith.constant 2 : i32
    %mul3A_0 = arith.muli %arg1, %mul3A : i32
    %add3A = arith.addi %mul3A_0, %arg0 : i32
    %mul3A_1 = arith.constant 25600 : i32
    %mul3A_2 = arith.muli %add3A, %mul3A_1 : i32
    %mul3A_3 = arith.constant 200 : i32
    %mul3A_4 = arith.muli %add3A, %mul3A_3 : i32
    "tpu.region"() ({
      %run_scoped3A = tpu.sem_alloc : memref<!tpu.dma_semaphore, #tpu.memory_space<semaphore_mem>>
      %dma_start3A_99 = arith.constant 0 : i32
      %dma_start3A_100 = tpu.memref_slice %arg2[%mul3A_4, %dma_start3A_99] : memref<6400x128xi32, #tpu.memory_space<hbm>> -> memref<200x128xi32, #tpu.memory_space<hbm>>
      %dma_start3A_101 = arith.constant 0 : i32
      %dma_start3A_102 = tpu.memref_slice %arg2[%mul3A_4, %dma_start3A_101] : memref<6400x128xi32, #tpu.memory_space<hbm>> -> memref<200x128xi32, #tpu.memory_space<hbm>>
      tpu.enqueue_dma source(%dma_start3A_102 : memref<200x128xi32, #tpu.memory_space<hbm>>) target(%arg6 : memref<200x128xi32, #tpu.memory_space<vmem>>) target_semaphore(%run_scoped3A : memref<!tpu.dma_semaphore, #tpu.memory_space<semaphore_mem>>)
      %dma_wait3A_103 = arith.constant 0 : i32
      %dma_wait3A_104 = tpu.memref_slice %arg2[%mul3A_4, %dma_wait3A_103] : memref<6400x128xi32, #tpu.memory_space<hbm>> -> memref<200x128xi32, #tpu.memory_space<hbm>>
      %dma_wait3A_105 = arith.constant 0 : i32
      %dma_wait3A_106 = tpu.memref_slice %arg2[%mul3A_4, %dma_wait3A_105] : memref<6400x128xi32, #tpu.memory_space<hbm>> -> memref<200x128xi32, #tpu.memory_space<hbm>>
      tpu.wait_dma2 semaphore(%run_scoped3A : memref<!tpu.dma_semaphore, #tpu.memory_space<semaphore_mem>>) src(%dma_wait3A_106 : memref<200x128xi32, #tpu.memory_space<hbm>>) dst(%arg6 : memref<200x128xi32, #tpu.memory_space<vmem>>)
      tpu.yield
    }) : () -> ()
    "tpu.region"() ({
      %run_scoped3A = tpu.sem_alloc : memref<!tpu.dma_semaphore, #tpu.memory_space<semaphore_mem>>
      tpu.enqueue_dma source(%arg4 : memref<200x32xf32, #tpu.memory_space<hbm>>) target(%arg9 : memref<200x32xf32, #tpu.memory_space<vmem>>) target_semaphore(%run_scoped3A : memref<!tpu.dma_semaphore, #tpu.memory_space<semaphore_mem>>)
      tpu.wait_dma2 semaphore(%run_scoped3A : memref<!tpu.dma_semaphore, #tpu.memory_space<semaphore_mem>>) src(%arg4 : memref<200x32xf32, #tpu.memory_space<hbm>>) dst(%arg9 : memref<200x32xf32, #tpu.memory_space<vmem>>)
      tpu.yield
    }) : () -> ()
    %dma_start3A = arith.constant 0 : i32
    %dma_start3A_5 = arith.constant 0 : i32
    %dma_start3A_6 = arith.constant 0 : i32
    %dma_start3A_7 = tpu.memref_slice %arg7[%dma_start3A_5, %dma_start3A_6] : memref<1024x32xf32, #tpu.memory_space<vmem>> -> memref<128x32xf32, #tpu.memory_space<vmem>>
    %dma_start3A_8 = arith.constant 0 : i32
    %dma_start3A_9 = tpu.memref_slice %arg6[%dma_start3A, %dma_start3A_8] : memref<200x128xi32, #tpu.memory_space<vmem>> -> memref<1x128xi32, #tpu.memory_space<vmem>>
    %dma_start3A_10 = tpu.memref_squeeze %dma_start3A_9 : memref<1x128xi32, #tpu.memory_space<vmem>> -> memref<128xi32, #tpu.memory_space<vmem>>
    %dma_start3A_11 = arith.constant 0 : i32
    %dma_start3A_12 = arith.constant 0 : i32
    %dma_start3A_13 = tpu.memref_slice %arg3[%dma_start3A_11, %dma_start3A_12] : memref<1000000x32xf32, #tpu.memory_space<hbm>> -> memref<1000000x32xf32, #tpu.memory_space<hbm>>
    tpu.enqueue_indirect_dma source(%dma_start3A_13 : memref<1000000x32xf32, #tpu.memory_space<hbm>>) target(%dma_start3A_7 : memref<128x32xf32, #tpu.memory_space<vmem>>) offsets(%dma_start3A_10 : memref<128xi32, #tpu.memory_space<vmem>>) semaphore(%arg10 : memref<!tpu.dma_semaphore, #tpu.memory_space<semaphore_mem>>)
    %dma_start3A_14 = arith.constant 1 : i32
    %dma_start3A_15 = arith.constant 128 : i32
    %dma_start3A_16 = arith.constant 0 : i32
    %dma_start3A_17 = tpu.memref_slice %arg7[%dma_start3A_15, %dma_start3A_16] : memref<1024x32xf32, #tpu.memory_space<vmem>> -> memref<128x32xf32, #tpu.memory_space<vmem>>
    %dma_start3A_18 = arith.constant 0 : i32
    %dma_start3A_19 = tpu.memref_slice %arg6[%dma_start3A_14, %dma_start3A_18] : memref<200x128xi32, #tpu.memory_space<vmem>> -> memref<1x128xi32, #tpu.memory_space<vmem>>
    %dma_start3A_20 = tpu.memref_squeeze %dma_start3A_19 : memref<1x128xi32, #tpu.memory_space<vmem>> -> memref<128xi32, #tpu.memory_space<vmem>>
    %dma_start3A_21 = arith.constant 0 : i32
    %dma_start3A_22 = arith.constant 0 : i32
    %dma_start3A_23 = tpu.memref_slice %arg3[%dma_start3A_21, %dma_start3A_22] : memref<1000000x32xf32, #tpu.memory_space<hbm>> -> memref<1000000x32xf32, #tpu.memory_space<hbm>>
    tpu.enqueue_indirect_dma source(%dma_start3A_23 : memref<1000000x32xf32, #tpu.memory_space<hbm>>) target(%dma_start3A_17 : memref<128x32xf32, #tpu.memory_space<vmem>>) offsets(%dma_start3A_20 : memref<128xi32, #tpu.memory_space<vmem>>) semaphore(%arg10 : memref<!tpu.dma_semaphore, #tpu.memory_space<semaphore_mem>>)
    %dma_start3A_24 = arith.constant 2 : i32
    %dma_start3A_25 = arith.constant 256 : i32
    %dma_start3A_26 = arith.constant 0 : i32
    %dma_start3A_27 = tpu.memref_slice %arg7[%dma_start3A_25, %dma_start3A_26] : memref<1024x32xf32, #tpu.memory_space<vmem>> -> memref<128x32xf32, #tpu.memory_space<vmem>>
    %dma_start3A_28 = arith.constant 0 : i32
    %dma_start3A_29 = tpu.memref_slice %arg6[%dma_start3A_24, %dma_start3A_28] : memref<200x128xi32, #tpu.memory_space<vmem>> -> memref<1x128xi32, #tpu.memory_space<vmem>>
    %dma_start3A_30 = tpu.memref_squeeze %dma_start3A_29 : memref<1x128xi32, #tpu.memory_space<vmem>> -> memref<128xi32, #tpu.memory_space<vmem>>
    %dma_start3A_31 = arith.constant 0 : i32
    %dma_start3A_32 = arith.constant 0 : i32
    %dma_start3A_33 = tpu.memref_slice %arg3[%dma_start3A_31, %dma_start3A_32] : memref<1000000x32xf32, #tpu.memory_space<hbm>> -> memref<1000000x32xf32, #tpu.memory_space<hbm>>
    tpu.enqueue_indirect_dma source(%dma_start3A_33 : memref<1000000x32xf32, #tpu.memory_space<hbm>>) target(%dma_start3A_27 : memref<128x32xf32, #tpu.memory_space<vmem>>) offsets(%dma_start3A_30 : memref<128xi32, #tpu.memory_space<vmem>>) semaphore(%arg10 : memref<!tpu.dma_semaphore, #tpu.memory_space<semaphore_mem>>)
    %dma_start3A_34 = arith.constant 3 : i32
    %dma_start3A_35 = arith.constant 384 : i32
    %dma_start3A_36 = arith.constant 0 : i32
    %dma_start3A_37 = tpu.memref_slice %arg7[%dma_start3A_35, %dma_start3A_36] : memref<1024x32xf32, #tpu.memory_space<vmem>> -> memref<128x32xf32, #tpu.memory_space<vmem>>
    %dma_start3A_38 = arith.constant 0 : i32
    %dma_start3A_39 = tpu.memref_slice %arg6[%dma_start3A_34, %dma_start3A_38] : memref<200x128xi32, #tpu.memory_space<vmem>> -> memref<1x128xi32, #tpu.memory_space<vmem>>
    %dma_start3A_40 = tpu.memref_squeeze %dma_start3A_39 : memref<1x128xi32, #tpu.memory_space<vmem>> -> memref<128xi32, #tpu.memory_space<vmem>>
    %dma_start3A_41 = arith.constant 0 : i32
    %dma_start3A_42 = arith.constant 0 : i32
    %dma_start3A_43 = tpu.memref_slice %arg3[%dma_start3A_41, %dma_start3A_42] : memref<1000000x32xf32, #tpu.memory_space<hbm>> -> memref<1000000x32xf32, #tpu.memory_space<hbm>>
    tpu.enqueue_indirect_dma source(%dma_start3A_43 : memref<1000000x32xf32, #tpu.memory_space<hbm>>) target(%dma_start3A_37 : memref<128x32xf32, #tpu.memory_space<vmem>>) offsets(%dma_start3A_40 : memref<128xi32, #tpu.memory_space<vmem>>) semaphore(%arg10 : memref<!tpu.dma_semaphore, #tpu.memory_space<semaphore_mem>>)
    %dma_start3A_44 = arith.constant 4 : i32
    %dma_start3A_45 = arith.constant 512 : i32
    %dma_start3A_46 = arith.constant 0 : i32
    %dma_start3A_47 = tpu.memref_slice %arg7[%dma_start3A_45, %dma_start3A_46] : memref<1024x32xf32, #tpu.memory_space<vmem>> -> memref<128x32xf32, #tpu.memory_space<vmem>>
    %dma_start3A_48 = arith.constant 0 : i32
    %dma_start3A_49 = tpu.memref_slice %arg6[%dma_start3A_44, %dma_start3A_48] : memref<200x128xi32, #tpu.memory_space<vmem>> -> memref<1x128xi32, #tpu.memory_space<vmem>>
    %dma_start3A_50 = tpu.memref_squeeze %dma_start3A_49 : memref<1x128xi32, #tpu.memory_space<vmem>> -> memref<128xi32, #tpu.memory_space<vmem>>
    %dma_start3A_51 = arith.constant 0 : i32
    %dma_start3A_52 = arith.constant 0 : i32
    %dma_start3A_53 = tpu.memref_slice %arg3[%dma_start3A_51, %dma_start3A_52] : memref<1000000x32xf32, #tpu.memory_space<hbm>> -> memref<1000000x32xf32, #tpu.memory_space<hbm>>
    tpu.enqueue_indirect_dma source(%dma_start3A_53 : memref<1000000x32xf32, #tpu.memory_space<hbm>>) target(%dma_start3A_47 : memref<128x32xf32, #tpu.memory_space<vmem>>) offsets(%dma_start3A_50 : memref<128xi32, #tpu.memory_space<vmem>>) semaphore(%arg10 : memref<!tpu.dma_semaphore, #tpu.memory_space<semaphore_mem>>)
    %dma_start3A_54 = arith.constant 5 : i32
    %dma_start3A_55 = arith.constant 640 : i32
    %dma_start3A_56 = arith.constant 0 : i32
    %dma_start3A_57 = tpu.memref_slice %arg7[%dma_start3A_55, %dma_start3A_56] : memref<1024x32xf32, #tpu.memory_space<vmem>> -> memref<128x32xf32, #tpu.memory_space<vmem>>
    %dma_start3A_58 = arith.constant 0 : i32
    %dma_start3A_59 = tpu.memref_slice %arg6[%dma_start3A_54, %dma_start3A_58] : memref<200x128xi32, #tpu.memory_space<vmem>> -> memref<1x128xi32, #tpu.memory_space<vmem>>
    %dma_start3A_60 = tpu.memref_squeeze %dma_start3A_59 : memref<1x128xi32, #tpu.memory_space<vmem>> -> memref<128xi32, #tpu.memory_space<vmem>>
    %dma_start3A_61 = arith.constant 0 : i32
    %dma_start3A_62 = arith.constant 0 : i32
    %dma_start3A_63 = tpu.memref_slice %arg3[%dma_start3A_61, %dma_start3A_62] : memref<1000000x32xf32, #tpu.memory_space<hbm>> -> memref<1000000x32xf32, #tpu.memory_space<hbm>>
    tpu.enqueue_indirect_dma source(%dma_start3A_63 : memref<1000000x32xf32, #tpu.memory_space<hbm>>) target(%dma_start3A_57 : memref<128x32xf32, #tpu.memory_space<vmem>>) offsets(%dma_start3A_60 : memref<128xi32, #tpu.memory_space<vmem>>) semaphore(%arg10 : memref<!tpu.dma_semaphore, #tpu.memory_space<semaphore_mem>>)
    %dma_start3A_64 = arith.constant 6 : i32
    %dma_start3A_65 = arith.constant 768 : i32
    %dma_start3A_66 = arith.constant 0 : i32
    %dma_start3A_67 = tpu.memref_slice %arg7[%dma_start3A_65, %dma_start3A_66] : memref<1024x32xf32, #tpu.memory_space<vmem>> -> memref<128x32xf32, #tpu.memory_space<vmem>>
    %dma_start3A_68 = arith.constant 0 : i32
    %dma_start3A_69 = tpu.memref_slice %arg6[%dma_start3A_64, %dma_start3A_68] : memref<200x128xi32, #tpu.memory_space<vmem>> -> memref<1x128xi32, #tpu.memory_space<vmem>>
    %dma_start3A_70 = tpu.memref_squeeze %dma_start3A_69 : memref<1x128xi32, #tpu.memory_space<vmem>> -> memref<128xi32, #tpu.memory_space<vmem>>
    %dma_start3A_71 = arith.constant 0 : i32
    %dma_start3A_72 = arith.constant 0 : i32
    %dma_start3A_73 = tpu.memref_slice %arg3[%dma_start3A_71, %dma_start3A_72] : memref<1000000x32xf32, #tpu.memory_space<hbm>> -> memref<1000000x32xf32, #tpu.memory_space<hbm>>
    tpu.enqueue_indirect_dma source(%dma_start3A_73 : memref<1000000x32xf32, #tpu.memory_space<hbm>>) target(%dma_start3A_67 : memref<128x32xf32, #tpu.memory_space<vmem>>) offsets(%dma_start3A_70 : memref<128xi32, #tpu.memory_space<vmem>>) semaphore(%arg10 : memref<!tpu.dma_semaphore, #tpu.memory_space<semaphore_mem>>)
    %dma_start3A_74 = arith.constant 7 : i32
    %dma_start3A_75 = arith.constant 896 : i32
    %dma_start3A_76 = arith.constant 0 : i32
    %dma_start3A_77 = tpu.memref_slice %arg7[%dma_start3A_75, %dma_start3A_76] : memref<1024x32xf32, #tpu.memory_space<vmem>> -> memref<128x32xf32, #tpu.memory_space<vmem>>
    %dma_start3A_78 = arith.constant 0 : i32
    %dma_start3A_79 = tpu.memref_slice %arg6[%dma_start3A_74, %dma_start3A_78] : memref<200x128xi32, #tpu.memory_space<vmem>> -> memref<1x128xi32, #tpu.memory_space<vmem>>
    %dma_start3A_80 = tpu.memref_squeeze %dma_start3A_79 : memref<1x128xi32, #tpu.memory_space<vmem>> -> memref<128xi32, #tpu.memory_space<vmem>>
    %dma_start3A_81 = arith.constant 0 : i32
    %dma_start3A_82 = arith.constant 0 : i32
    %dma_start3A_83 = tpu.memref_slice %arg3[%dma_start3A_81, %dma_start3A_82] : memref<1000000x32xf32, #tpu.memory_space<hbm>> -> memref<1000000x32xf32, #tpu.memory_space<hbm>>
    tpu.enqueue_indirect_dma source(%dma_start3A_83 : memref<1000000x32xf32, #tpu.memory_space<hbm>>) target(%dma_start3A_77 : memref<128x32xf32, #tpu.memory_space<vmem>>) offsets(%dma_start3A_80 : memref<128xi32, #tpu.memory_space<vmem>>) semaphore(%arg10 : memref<!tpu.dma_semaphore, #tpu.memory_space<semaphore_mem>>)
    %scan3A = arith.constant 0 : i32
    %scan3A_84 = arith.constant 25 : i32
    %scan3A_85 = arith.addi %scan3A, %scan3A_84 : i32
    %scan3A_86 = arith.constant 1 : i32
    scf.for %scan3A_99 = %scan3A to %scan3A_85 step %scan3A_86  : i32 {
      %mul3A_100 = arith.constant 1 : i32
      %mul3A_101 = arith.muli %scan3A_99, %mul3A_100 : i32
      %add3A_102 = arith.constant 0 : i32
      %add3A_103 = arith.addi %add3A_102, %mul3A_101 : i32
      %rem3A = arith.constant 2 : i32
      %rem3A_104 = arith.remsi %add3A_103, %rem3A : i32
      %eq3A = arith.constant 0 : i32
      %eq3A_105 = arith.cmpi eq, %rem3A_104, %eq3A : i32
      %convert_element_type3A = arith.extui %eq3A_105 : i1 to i32
      %cond3A = arith.constant 0 : i32
      %cond3A_106 = arith.cmpi ne, %convert_element_type3A, %cond3A : i32
      scf.if %cond3A_106 {
        %add3A_114 = arith.constant 1 : i32
        %add3A_115 = arith.addi %add3A_103, %add3A_114 : i32
        %lt3A = arith.constant 25 : i32
        %lt3A_116 = arith.cmpi slt, %add3A_115, %lt3A : i32
        %convert_element_type3A_117 = arith.extui %lt3A_116 : i1 to i32
        %cond3A_118 = arith.constant 0 : i32
        %cond3A_119 = arith.cmpi ne, %convert_element_type3A_117, %cond3A_118 : i32
        scf.if %cond3A_119 {
          %ge3A = arith.constant 1 : i32
          %ge3A_242 = arith.cmpi sge, %add3A_103, %ge3A : i32
          %convert_element_type3A_243 = arith.extui %ge3A_242 : i1 to i32
          %cond3A_244 = arith.constant 0 : i32
          %cond3A_245 = arith.cmpi ne, %convert_element_type3A_243, %cond3A_244 : i32
          scf.if %cond3A_245 {
            %sub3A = arith.constant 1 : i32
            %sub3A_352 = arith.subi %add3A_103, %sub3A : i32
            %mul3A_353 = arith.constant 1024 : i32
            %mul3A_354 = arith.muli %sub3A_352, %mul3A_353 : i32
            %add3A_355 = arith.addi %mul3A_2, %mul3A_354 : i32
            %dma_wait3A_356 = arith.constant 0 : i32
            %dma_wait3A_357 = tpu.memref_slice %arg5[%add3A_355, %dma_wait3A_356] : memref<819200x32xf32, #tpu.memory_space<hbm>> -> memref<1024x32xf32, #tpu.memory_space<hbm>>
            %dma_wait3A_358 = arith.constant 0 : i32
            %dma_wait3A_359 = tpu.memref_slice %arg5[%add3A_355, %dma_wait3A_358] : memref<819200x32xf32, #tpu.memory_space<hbm>> -> memref<1024x32xf32, #tpu.memory_space<hbm>>
            tpu.wait_dma2 semaphore(%arg13 : memref<!tpu.dma_semaphore, #tpu.memory_space<semaphore_mem>>) src(%arg8 : memref<1024x32xf32, #tpu.memory_space<vmem>>) dst(%dma_wait3A_359 : memref<1024x32xf32, #tpu.memory_space<hbm>>)
          } else {
          }
          %add3A_246 = arith.constant 1 : i32
          %add3A_247 = arith.addi %add3A_103, %add3A_246 : i32
          %mul3A_248 = arith.constant 8 : i32
          %mul3A_249 = arith.muli %add3A_247, %mul3A_248 : i32
          %add3A_250 = arith.constant 0 : i32
          %add3A_251 = arith.addi %mul3A_249, %add3A_250 : i32
          %dma_start3A_252 = arith.constant 0 : i32
          %dma_start3A_253 = arith.constant 0 : i32
          %dma_start3A_254 = tpu.memref_slice %arg8[%dma_start3A_252, %dma_start3A_253] : memref<1024x32xf32, #tpu.memory_space<vmem>> -> memref<128x32xf32, #tpu.memory_space<vmem>>
          %dma_start3A_255 = arith.constant 0 : i32
          %dma_start3A_256 = tpu.memref_slice %arg6[%add3A_251, %dma_start3A_255] : memref<200x128xi32, #tpu.memory_space<vmem>> -> memref<1x128xi32, #tpu.memory_space<vmem>>
          %dma_start3A_257 = tpu.memref_squeeze %dma_start3A_256 : memref<1x128xi32, #tpu.memory_space<vmem>> -> memref<128xi32, #tpu.memory_space<vmem>>
          %dma_start3A_258 = arith.constant 0 : i32
          %dma_start3A_259 = arith.constant 0 : i32
          %dma_start3A_260 = tpu.memref_slice %arg3[%dma_start3A_258, %dma_start3A_259] : memref<1000000x32xf32, #tpu.memory_space<hbm>> -> memref<1000000x32xf32, #tpu.memory_space<hbm>>
          tpu.enqueue_indirect_dma source(%dma_start3A_260 : memref<1000000x32xf32, #tpu.memory_space<hbm>>) target(%dma_start3A_254 : memref<128x32xf32, #tpu.memory_space<vmem>>) offsets(%dma_start3A_257 : memref<128xi32, #tpu.memory_space<vmem>>) semaphore(%arg11 : memref<!tpu.dma_semaphore, #tpu.memory_space<semaphore_mem>>)
          %mul3A_261 = arith.constant 8 : i32
          %mul3A_262 = arith.muli %add3A_247, %mul3A_261 : i32
          %add3A_263 = arith.constant 1 : i32
          %add3A_264 = arith.addi %mul3A_262, %add3A_263 : i32
          %dma_start3A_265 = arith.constant 128 : i32
          %dma_start3A_266 = arith.constant 0 : i32
          %dma_start3A_267 = tpu.memref_slice %arg8[%dma_start3A_265, %dma_start3A_266] : memref<1024x32xf32, #tpu.memory_space<vmem>> -> memref<128x32xf32, #tpu.memory_space<vmem>>
          %dma_start3A_268 = arith.constant 0 : i32
          %dma_start3A_269 = tpu.memref_slice %arg6[%add3A_264, %dma_start3A_268] : memref<200x128xi32, #tpu.memory_space<vmem>> -> memref<1x128xi32, #tpu.memory_space<vmem>>
          %dma_start3A_270 = tpu.memref_squeeze %dma_start3A_269 : memref<1x128xi32, #tpu.memory_space<vmem>> -> memref<128xi32, #tpu.memory_space<vmem>>
          %dma_start3A_271 = arith.constant 0 : i32
          %dma_start3A_272 = arith.constant 0 : i32
          %dma_start3A_273 = tpu.memref_slice %arg3[%dma_start3A_271, %dma_start3A_272] : memref<1000000x32xf32, #tpu.memory_space<hbm>> -> memref<1000000x32xf32, #tpu.memory_space<hbm>>
          tpu.enqueue_indirect_dma source(%dma_start3A_273 : memref<1000000x32xf32, #tpu.memory_space<hbm>>) target(%dma_start3A_267 : memref<128x32xf32, #tpu.memory_space<vmem>>) offsets(%dma_start3A_270 : memref<128xi32, #tpu.memory_space<vmem>>) semaphore(%arg11 : memref<!tpu.dma_semaphore, #tpu.memory_space<semaphore_mem>>)
          %mul3A_274 = arith.constant 8 : i32
          %mul3A_275 = arith.muli %add3A_247, %mul3A_274 : i32
          %add3A_276 = arith.constant 2 : i32
          %add3A_277 = arith.addi %mul3A_275, %add3A_276 : i32
          %dma_start3A_278 = arith.constant 256 : i32
          %dma_start3A_279 = arith.constant 0 : i32
          %dma_start3A_280 = tpu.memref_slice %arg8[%dma_start3A_278, %dma_start3A_279] : memref<1024x32xf32, #tpu.memory_space<vmem>> -> memref<128x32xf32, #tpu.memory_space<vmem>>
          %dma_start3A_281 = arith.constant 0 : i32
          %dma_start3A_282 = tpu.memref_slice %arg6[%add3A_277, %dma_start3A_281] : memref<200x128xi32, #tpu.memory_space<vmem>> -> memref<1x128xi32, #tpu.memory_space<vmem>>
          %dma_start3A_283 = tpu.memref_squeeze %dma_start3A_282 : memref<1x128xi32, #tpu.memory_space<vmem>> -> memref<128xi32, #tpu.memory_space<vmem>>
          %dma_start3A_284 = arith.constant 0 : i32
          %dma_start3A_285 = arith.constant 0 : i32
          %dma_start3A_286 = tpu.memref_slice %arg3[%dma_start3A_284, %dma_start3A_285] : memref<1000000x32xf32, #tpu.memory_space<hbm>> -> memref<1000000x32xf32, #tpu.memory_space<hbm>>
          tpu.enqueue_indirect_dma source(%dma_start3A_286 : memref<1000000x32xf32, #tpu.memory_space<hbm>>) target(%dma_start3A_280 : memref<128x32xf32, #tpu.memory_space<vmem>>) offsets(%dma_start3A_283 : memref<128xi32, #tpu.memory_space<vmem>>) semaphore(%arg11 : memref<!tpu.dma_semaphore, #tpu.memory_space<semaphore_mem>>)
          %mul3A_287 = arith.constant 8 : i32
          %mul3A_288 = arith.muli %add3A_247, %mul3A_287 : i32
          %add3A_289 = arith.constant 3 : i32
          %add3A_290 = arith.addi %mul3A_288, %add3A_289 : i32
          %dma_start3A_291 = arith.constant 384 : i32
          %dma_start3A_292 = arith.constant 0 : i32
          %dma_start3A_293 = tpu.memref_slice %arg8[%dma_start3A_291, %dma_start3A_292] : memref<1024x32xf32, #tpu.memory_space<vmem>> -> memref<128x32xf32, #tpu.memory_space<vmem>>
          %dma_start3A_294 = arith.constant 0 : i32
          %dma_start3A_295 = tpu.memref_slice %arg6[%add3A_290, %dma_start3A_294] : memref<200x128xi32, #tpu.memory_space<vmem>> -> memref<1x128xi32, #tpu.memory_space<vmem>>
          %dma_start3A_296 = tpu.memref_squeeze %dma_start3A_295 : memref<1x128xi32, #tpu.memory_space<vmem>> -> memref<128xi32, #tpu.memory_space<vmem>>
          %dma_start3A_297 = arith.constant 0 : i32
          %dma_start3A_298 = arith.constant 0 : i32
          %dma_start3A_299 = tpu.memref_slice %arg3[%dma_start3A_297, %dma_start3A_298] : memref<1000000x32xf32, #tpu.memory_space<hbm>> -> memref<1000000x32xf32, #tpu.memory_space<hbm>>
          tpu.enqueue_indirect_dma source(%dma_start3A_299 : memref<1000000x32xf32, #tpu.memory_space<hbm>>) target(%dma_start3A_293 : memref<128x32xf32, #tpu.memory_space<vmem>>) offsets(%dma_start3A_296 : memref<128xi32, #tpu.memory_space<vmem>>) semaphore(%arg11 : memref<!tpu.dma_semaphore, #tpu.memory_space<semaphore_mem>>)
          %mul3A_300 = arith.constant 8 : i32
          %mul3A_301 = arith.muli %add3A_247, %mul3A_300 : i32
          %add3A_302 = arith.constant 4 : i32
          %add3A_303 = arith.addi %mul3A_301, %add3A_302 : i32
          %dma_start3A_304 = arith.constant 512 : i32
          %dma_start3A_305 = arith.constant 0 : i32
          %dma_start3A_306 = tpu.memref_slice %arg8[%dma_start3A_304, %dma_start3A_305] : memref<1024x32xf32, #tpu.memory_space<vmem>> -> memref<128x32xf32, #tpu.memory_space<vmem>>
          %dma_start3A_307 = arith.constant 0 : i32
          %dma_start3A_308 = tpu.memref_slice %arg6[%add3A_303, %dma_start3A_307] : memref<200x128xi32, #tpu.memory_space<vmem>> -> memref<1x128xi32, #tpu.memory_space<vmem>>
          %dma_start3A_309 = tpu.memref_squeeze %dma_start3A_308 : memref<1x128xi32, #tpu.memory_space<vmem>> -> memref<128xi32, #tpu.memory_space<vmem>>
          %dma_start3A_310 = arith.constant 0 : i32
          %dma_start3A_311 = arith.constant 0 : i32
          %dma_start3A_312 = tpu.memref_slice %arg3[%dma_start3A_310, %dma_start3A_311] : memref<1000000x32xf32, #tpu.memory_space<hbm>> -> memref<1000000x32xf32, #tpu.memory_space<hbm>>
          tpu.enqueue_indirect_dma source(%dma_start3A_312 : memref<1000000x32xf32, #tpu.memory_space<hbm>>) target(%dma_start3A_306 : memref<128x32xf32, #tpu.memory_space<vmem>>) offsets(%dma_start3A_309 : memref<128xi32, #tpu.memory_space<vmem>>) semaphore(%arg11 : memref<!tpu.dma_semaphore, #tpu.memory_space<semaphore_mem>>)
          %mul3A_313 = arith.constant 8 : i32
          %mul3A_314 = arith.muli %add3A_247, %mul3A_313 : i32
          %add3A_315 = arith.constant 5 : i32
          %add3A_316 = arith.addi %mul3A_314, %add3A_315 : i32
          %dma_start3A_317 = arith.constant 640 : i32
          %dma_start3A_318 = arith.constant 0 : i32
          %dma_start3A_319 = tpu.memref_slice %arg8[%dma_start3A_317, %dma_start3A_318] : memref<1024x32xf32, #tpu.memory_space<vmem>> -> memref<128x32xf32, #tpu.memory_space<vmem>>
          %dma_start3A_320 = arith.constant 0 : i32
          %dma_start3A_321 = tpu.memref_slice %arg6[%add3A_316, %dma_start3A_320] : memref<200x128xi32, #tpu.memory_space<vmem>> -> memref<1x128xi32, #tpu.memory_space<vmem>>
          %dma_start3A_322 = tpu.memref_squeeze %dma_start3A_321 : memref<1x128xi32, #tpu.memory_space<vmem>> -> memref<128xi32, #tpu.memory_space<vmem>>
          %dma_start3A_323 = arith.constant 0 : i32
          %dma_start3A_324 = arith.constant 0 : i32
          %dma_start3A_325 = tpu.memref_slice %arg3[%dma_start3A_323, %dma_start3A_324] : memref<1000000x32xf32, #tpu.memory_space<hbm>> -> memref<1000000x32xf32, #tpu.memory_space<hbm>>
          tpu.enqueue_indirect_dma source(%dma_start3A_325 : memref<1000000x32xf32, #tpu.memory_space<hbm>>) target(%dma_start3A_319 : memref<128x32xf32, #tpu.memory_space<vmem>>) offsets(%dma_start3A_322 : memref<128xi32, #tpu.memory_space<vmem>>) semaphore(%arg11 : memref<!tpu.dma_semaphore, #tpu.memory_space<semaphore_mem>>)
          %mul3A_326 = arith.constant 8 : i32
          %mul3A_327 = arith.muli %add3A_247, %mul3A_326 : i32
          %add3A_328 = arith.constant 6 : i32
          %add3A_329 = arith.addi %mul3A_327, %add3A_328 : i32
          %dma_start3A_330 = arith.constant 768 : i32
          %dma_start3A_331 = arith.constant 0 : i32
          %dma_start3A_332 = tpu.memref_slice %arg8[%dma_start3A_330, %dma_start3A_331] : memref<1024x32xf32, #tpu.memory_space<vmem>> -> memref<128x32xf32, #tpu.memory_space<vmem>>
          %dma_start3A_333 = arith.constant 0 : i32
          %dma_start3A_334 = tpu.memref_slice %arg6[%add3A_329, %dma_start3A_333] : memref<200x128xi32, #tpu.memory_space<vmem>> -> memref<1x128xi32, #tpu.memory_space<vmem>>
          %dma_start3A_335 = tpu.memref_squeeze %dma_start3A_334 : memref<1x128xi32, #tpu.memory_space<vmem>> -> memref<128xi32, #tpu.memory_space<vmem>>
          %dma_start3A_336 = arith.constant 0 : i32
          %dma_start3A_337 = arith.constant 0 : i32
          %dma_start3A_338 = tpu.memref_slice %arg3[%dma_start3A_336, %dma_start3A_337] : memref<1000000x32xf32, #tpu.memory_space<hbm>> -> memref<1000000x32xf32, #tpu.memory_space<hbm>>
          tpu.enqueue_indirect_dma source(%dma_start3A_338 : memref<1000000x32xf32, #tpu.memory_space<hbm>>) target(%dma_start3A_332 : memref<128x32xf32, #tpu.memory_space<vmem>>) offsets(%dma_start3A_335 : memref<128xi32, #tpu.memory_space<vmem>>) semaphore(%arg11 : memref<!tpu.dma_semaphore, #tpu.memory_space<semaphore_mem>>)
          %mul3A_339 = arith.constant 8 : i32
          %mul3A_340 = arith.muli %add3A_247, %mul3A_339 : i32
          %add3A_341 = arith.constant 7 : i32
          %add3A_342 = arith.addi %mul3A_340, %add3A_341 : i32
          %dma_start3A_343 = arith.constant 896 : i32
          %dma_start3A_344 = arith.constant 0 : i32
          %dma_start3A_345 = tpu.memref_slice %arg8[%dma_start3A_343, %dma_start3A_344] : memref<1024x32xf32, #tpu.memory_space<vmem>> -> memref<128x32xf32, #tpu.memory_space<vmem>>
          %dma_start3A_346 = arith.constant 0 : i32
          %dma_start3A_347 = tpu.memref_slice %arg6[%add3A_342, %dma_start3A_346] : memref<200x128xi32, #tpu.memory_space<vmem>> -> memref<1x128xi32, #tpu.memory_space<vmem>>
          %dma_start3A_348 = tpu.memref_squeeze %dma_start3A_347 : memref<1x128xi32, #tpu.memory_space<vmem>> -> memref<128xi32, #tpu.memory_space<vmem>>
          %dma_start3A_349 = arith.constant 0 : i32
          %dma_start3A_350 = arith.constant 0 : i32
          %dma_start3A_351 = tpu.memref_slice %arg3[%dma_start3A_349, %dma_start3A_350] : memref<1000000x32xf32, #tpu.memory_space<hbm>> -> memref<1000000x32xf32, #tpu.memory_space<hbm>>
          tpu.enqueue_indirect_dma source(%dma_start3A_351 : memref<1000000x32xf32, #tpu.memory_space<hbm>>) target(%dma_start3A_345 : memref<128x32xf32, #tpu.memory_space<vmem>>) offsets(%dma_start3A_348 : memref<128xi32, #tpu.memory_space<vmem>>) semaphore(%arg11 : memref<!tpu.dma_semaphore, #tpu.memory_space<semaphore_mem>>)
        } else {
        }
        %mul3A_120 = arith.constant 8 : i32
        %mul3A_121 = arith.muli %add3A_103, %mul3A_120 : i32
        %add3A_122 = arith.constant 0 : i32
        %add3A_123 = arith.addi %mul3A_121, %add3A_122 : i32
        %dma_wait3A_124 = arith.constant 0 : i32
        %dma_wait3A_125 = arith.constant 0 : i32
        %dma_wait3A_126 = tpu.memref_slice %arg7[%dma_wait3A_124, %dma_wait3A_125] : memref<1024x32xf32, #tpu.memory_space<vmem>> -> memref<128x32xf32, #tpu.memory_space<vmem>>
        %dma_wait3A_127 = arith.constant 0 : i32
        %dma_wait3A_128 = tpu.memref_slice %arg6[%add3A_123, %dma_wait3A_127] : memref<200x128xi32, #tpu.memory_space<vmem>> -> memref<1x128xi32, #tpu.memory_space<vmem>>
        %dma_wait3A_129 = tpu.memref_squeeze %dma_wait3A_128 : memref<1x128xi32, #tpu.memory_space<vmem>> -> memref<128xi32, #tpu.memory_space<vmem>>
        %dma_wait3A_130 = arith.constant 0 : i32
        %dma_wait3A_131 = arith.constant 0 : i32
        %dma_wait3A_132 = tpu.memref_slice %arg3[%dma_wait3A_130, %dma_wait3A_131] : memref<1000000x32xf32, #tpu.memory_space<hbm>> -> memref<1000000x32xf32, #tpu.memory_space<hbm>>
        tpu.wait_indirect_dma semaphore(%arg10 : memref<!tpu.dma_semaphore, #tpu.memory_space<semaphore_mem>>) src(%dma_wait3A_132 : memref<1000000x32xf32, #tpu.memory_space<hbm>>) dst(%dma_wait3A_126 : memref<128x32xf32, #tpu.memory_space<vmem>>)
        %mul3A_133 = arith.constant 8 : i32
        %mul3A_134 = arith.muli %add3A_103, %mul3A_133 : i32
        %add3A_135 = arith.constant 1 : i32
        %add3A_136 = arith.addi %mul3A_134, %add3A_135 : i32
        %dma_wait3A_137 = arith.constant 128 : i32
        %dma_wait3A_138 = arith.constant 0 : i32
        %dma_wait3A_139 = tpu.memref_slice %arg7[%dma_wait3A_137, %dma_wait3A_138] : memref<1024x32xf32, #tpu.memory_space<vmem>> -> memref<128x32xf32, #tpu.memory_space<vmem>>
        %dma_wait3A_140 = arith.constant 0 : i32
        %dma_wait3A_141 = tpu.memref_slice %arg6[%add3A_136, %dma_wait3A_140] : memref<200x128xi32, #tpu.memory_space<vmem>> -> memref<1x128xi32, #tpu.memory_space<vmem>>
        %dma_wait3A_142 = tpu.memref_squeeze %dma_wait3A_141 : memref<1x128xi32, #tpu.memory_space<vmem>> -> memref<128xi32, #tpu.memory_space<vmem>>
        %dma_wait3A_143 = arith.constant 0 : i32
        %dma_wait3A_144 = arith.constant 0 : i32
        %dma_wait3A_145 = tpu.memref_slice %arg3[%dma_wait3A_143, %dma_wait3A_144] : memref<1000000x32xf32, #tpu.memory_space<hbm>> -> memref<1000000x32xf32, #tpu.memory_space<hbm>>
        tpu.wait_indirect_dma semaphore(%arg10 : memref<!tpu.dma_semaphore, #tpu.memory_space<semaphore_mem>>) src(%dma_wait3A_145 : memref<1000000x32xf32, #tpu.memory_space<hbm>>) dst(%dma_wait3A_139 : memref<128x32xf32, #tpu.memory_space<vmem>>)
        %mul3A_146 = arith.constant 8 : i32
        %mul3A_147 = arith.muli %add3A_103, %mul3A_146 : i32
        %add3A_148 = arith.constant 2 : i32
        %add3A_149 = arith.addi %mul3A_147, %add3A_148 : i32
        %dma_wait3A_150 = arith.constant 256 : i32
        %dma_wait3A_151 = arith.constant 0 : i32
        %dma_wait3A_152 = tpu.memref_slice %arg7[%dma_wait3A_150, %dma_wait3A_151] : memref<1024x32xf32, #tpu.memory_space<vmem>> -> memref<128x32xf32, #tpu.memory_space<vmem>>
        %dma_wait3A_153 = arith.constant 0 : i32
        %dma_wait3A_154 = tpu.memref_slice %arg6[%add3A_149, %dma_wait3A_153] : memref<200x128xi32, #tpu.memory_space<vmem>> -> memref<1x128xi32, #tpu.memory_space<vmem>>
        %dma_wait3A_155 = tpu.memref_squeeze %dma_wait3A_154 : memref<1x128xi32, #tpu.memory_space<vmem>> -> memref<128xi32, #tpu.memory_space<vmem>>
        %dma_wait3A_156 = arith.constant 0 : i32
        %dma_wait3A_157 = arith.constant 0 : i32
        %dma_wait3A_158 = tpu.memref_slice %arg3[%dma_wait3A_156, %dma_wait3A_157] : memref<1000000x32xf32, #tpu.memory_space<hbm>> -> memref<1000000x32xf32, #tpu.memory_space<hbm>>
        tpu.wait_indirect_dma semaphore(%arg10 : memref<!tpu.dma_semaphore, #tpu.memory_space<semaphore_mem>>) src(%dma_wait3A_158 : memref<1000000x32xf32, #tpu.memory_space<hbm>>) dst(%dma_wait3A_152 : memref<128x32xf32, #tpu.memory_space<vmem>>)
        %mul3A_159 = arith.constant 8 : i32
        %mul3A_160 = arith.muli %add3A_103, %mul3A_159 : i32
        %add3A_161 = arith.constant 3 : i32
        %add3A_162 = arith.addi %mul3A_160, %add3A_161 : i32
        %dma_wait3A_163 = arith.constant 384 : i32
        %dma_wait3A_164 = arith.constant 0 : i32
        %dma_wait3A_165 = tpu.memref_slice %arg7[%dma_wait3A_163, %dma_wait3A_164] : memref<1024x32xf32, #tpu.memory_space<vmem>> -> memref<128x32xf32, #tpu.memory_space<vmem>>
        %dma_wait3A_166 = arith.constant 0 : i32
        %dma_wait3A_167 = tpu.memref_slice %arg6[%add3A_162, %dma_wait3A_166] : memref<200x128xi32, #tpu.memory_space<vmem>> -> memref<1x128xi32, #tpu.memory_space<vmem>>
        %dma_wait3A_168 = tpu.memref_squeeze %dma_wait3A_167 : memref<1x128xi32, #tpu.memory_space<vmem>> -> memref<128xi32, #tpu.memory_space<vmem>>
        %dma_wait3A_169 = arith.constant 0 : i32
        %dma_wait3A_170 = arith.constant 0 : i32
        %dma_wait3A_171 = tpu.memref_slice %arg3[%dma_wait3A_169, %dma_wait3A_170] : memref<1000000x32xf32, #tpu.memory_space<hbm>> -> memref<1000000x32xf32, #tpu.memory_space<hbm>>
        tpu.wait_indirect_dma semaphore(%arg10 : memref<!tpu.dma_semaphore, #tpu.memory_space<semaphore_mem>>) src(%dma_wait3A_171 : memref<1000000x32xf32, #tpu.memory_space<hbm>>) dst(%dma_wait3A_165 : memref<128x32xf32, #tpu.memory_space<vmem>>)
        %mul3A_172 = arith.constant 8 : i32
        %mul3A_173 = arith.muli %add3A_103, %mul3A_172 : i32
        %add3A_174 = arith.constant 4 : i32
        %add3A_175 = arith.addi %mul3A_173, %add3A_174 : i32
        %dma_wait3A_176 = arith.constant 512 : i32
        %dma_wait3A_177 = arith.constant 0 : i32
        %dma_wait3A_178 = tpu.memref_slice %arg7[%dma_wait3A_176, %dma_wait3A_177] : memref<1024x32xf32, #tpu.memory_space<vmem>> -> memref<128x32xf32, #tpu.memory_space<vmem>>
        %dma_wait3A_179 = arith.constant 0 : i32
        %dma_wait3A_180 = tpu.memref_slice %arg6[%add3A_175, %dma_wait3A_179] : memref<200x128xi32, #tpu.memory_space<vmem>> -> memref<1x128xi32, #tpu.memory_space<vmem>>
        %dma_wait3A_181 = tpu.memref_squeeze %dma_wait3A_180 : memref<1x128xi32, #tpu.memory_space<vmem>> -> memref<128xi32, #tpu.memory_space<vmem>>
        %dma_wait3A_182 = arith.constant 0 : i32
        %dma_wait3A_183 = arith.constant 0 : i32
        %dma_wait3A_184 = tpu.memref_slice %arg3[%dma_wait3A_182, %dma_wait3A_183] : memref<1000000x32xf32, #tpu.memory_space<hbm>> -> memref<1000000x32xf32, #tpu.memory_space<hbm>>
        tpu.wait_indirect_dma semaphore(%arg10 : memref<!tpu.dma_semaphore, #tpu.memory_space<semaphore_mem>>) src(%dma_wait3A_184 : memref<1000000x32xf32, #tpu.memory_space<hbm>>) dst(%dma_wait3A_178 : memref<128x32xf32, #tpu.memory_space<vmem>>)
        %mul3A_185 = arith.constant 8 : i32
        %mul3A_186 = arith.muli %add3A_103, %mul3A_185 : i32
        %add3A_187 = arith.constant 5 : i32
        %add3A_188 = arith.addi %mul3A_186, %add3A_187 : i32
        %dma_wait3A_189 = arith.constant 640 : i32
        %dma_wait3A_190 = arith.constant 0 : i32
        %dma_wait3A_191 = tpu.memref_slice %arg7[%dma_wait3A_189, %dma_wait3A_190] : memref<1024x32xf32, #tpu.memory_space<vmem>> -> memref<128x32xf32, #tpu.memory_space<vmem>>
        %dma_wait3A_192 = arith.constant 0 : i32
        %dma_wait3A_193 = tpu.memref_slice %arg6[%add3A_188, %dma_wait3A_192] : memref<200x128xi32, #tpu.memory_space<vmem>> -> memref<1x128xi32, #tpu.memory_space<vmem>>
        %dma_wait3A_194 = tpu.memref_squeeze %dma_wait3A_193 : memref<1x128xi32, #tpu.memory_space<vmem>> -> memref<128xi32, #tpu.memory_space<vmem>>
        %dma_wait3A_195 = arith.constant 0 : i32
        %dma_wait3A_196 = arith.constant 0 : i32
        %dma_wait3A_197 = tpu.memref_slice %arg3[%dma_wait3A_195, %dma_wait3A_196] : memref<1000000x32xf32, #tpu.memory_space<hbm>> -> memref<1000000x32xf32, #tpu.memory_space<hbm>>
        tpu.wait_indirect_dma semaphore(%arg10 : memref<!tpu.dma_semaphore, #tpu.memory_space<semaphore_mem>>) src(%dma_wait3A_197 : memref<1000000x32xf32, #tpu.memory_space<hbm>>) dst(%dma_wait3A_191 : memref<128x32xf32, #tpu.memory_space<vmem>>)
        %mul3A_198 = arith.constant 8 : i32
        %mul3A_199 = arith.muli %add3A_103, %mul3A_198 : i32
        %add3A_200 = arith.constant 6 : i32
        %add3A_201 = arith.addi %mul3A_199, %add3A_200 : i32
        %dma_wait3A_202 = arith.constant 768 : i32
        %dma_wait3A_203 = arith.constant 0 : i32
        %dma_wait3A_204 = tpu.memref_slice %arg7[%dma_wait3A_202, %dma_wait3A_203] : memref<1024x32xf32, #tpu.memory_space<vmem>> -> memref<128x32xf32, #tpu.memory_space<vmem>>
        %dma_wait3A_205 = arith.constant 0 : i32
        %dma_wait3A_206 = tpu.memref_slice %arg6[%add3A_201, %dma_wait3A_205] : memref<200x128xi32, #tpu.memory_space<vmem>> -> memref<1x128xi32, #tpu.memory_space<vmem>>
        %dma_wait3A_207 = tpu.memref_squeeze %dma_wait3A_206 : memref<1x128xi32, #tpu.memory_space<vmem>> -> memref<128xi32, #tpu.memory_space<vmem>>
        %dma_wait3A_208 = arith.constant 0 : i32
        %dma_wait3A_209 = arith.constant 0 : i32
        %dma_wait3A_210 = tpu.memref_slice %arg3[%dma_wait3A_208, %dma_wait3A_209] : memref<1000000x32xf32, #tpu.memory_space<hbm>> -> memref<1000000x32xf32, #tpu.memory_space<hbm>>
        tpu.wait_indirect_dma semaphore(%arg10 : memref<!tpu.dma_semaphore, #tpu.memory_space<semaphore_mem>>) src(%dma_wait3A_210 : memref<1000000x32xf32, #tpu.memory_space<hbm>>) dst(%dma_wait3A_204 : memref<128x32xf32, #tpu.memory_space<vmem>>)
        %mul3A_211 = arith.constant 8 : i32
        %mul3A_212 = arith.muli %add3A_103, %mul3A_211 : i32
        %add3A_213 = arith.constant 7 : i32
        %add3A_214 = arith.addi %mul3A_212, %add3A_213 : i32
        %dma_wait3A_215 = arith.constant 896 : i32
        %dma_wait3A_216 = arith.constant 0 : i32
        %dma_wait3A_217 = tpu.memref_slice %arg7[%dma_wait3A_215, %dma_wait3A_216] : memref<1024x32xf32, #tpu.memory_space<vmem>> -> memref<128x32xf32, #tpu.memory_space<vmem>>
        %dma_wait3A_218 = arith.constant 0 : i32
        %dma_wait3A_219 = tpu.memref_slice %arg6[%add3A_214, %dma_wait3A_218] : memref<200x128xi32, #tpu.memory_space<vmem>> -> memref<1x128xi32, #tpu.memory_space<vmem>>
        %dma_wait3A_220 = tpu.memref_squeeze %dma_wait3A_219 : memref<1x128xi32, #tpu.memory_space<vmem>> -> memref<128xi32, #tpu.memory_space<vmem>>
        %dma_wait3A_221 = arith.constant 0 : i32
        %dma_wait3A_222 = arith.constant 0 : i32
        %dma_wait3A_223 = tpu.memref_slice %arg3[%dma_wait3A_221, %dma_wait3A_222] : memref<1000000x32xf32, #tpu.memory_space<hbm>> -> memref<1000000x32xf32, #tpu.memory_space<hbm>>
        tpu.wait_indirect_dma semaphore(%arg10 : memref<!tpu.dma_semaphore, #tpu.memory_space<semaphore_mem>>) src(%dma_wait3A_223 : memref<1000000x32xf32, #tpu.memory_space<hbm>>) dst(%dma_wait3A_217 : memref<128x32xf32, #tpu.memory_space<vmem>>)
        %mul3A_224 = arith.constant 1024 : i32
        %mul3A_225 = arith.muli %add3A_103, %mul3A_224 : i32
        %add3A_226 = arith.addi %mul3A_2, %mul3A_225 : i32
        %rem3A_227 = arith.constant 200 : i32
        %rem3A_228 = arith.remsi %add3A_226, %rem3A_227 : i32
        %scan3A_229 = arith.constant 0 : i32
        %scan3A_230 = arith.constant 1024 : i32
        %scan3A_231 = arith.addi %scan3A_229, %scan3A_230 : i32
        %scan3A_232 = arith.constant 1 : i32
        %scan3A_233 = scf.for %scan3A_242 = %scan3A_229 to %scan3A_231 step %scan3A_232 iter_args(%scan3A_243 = %rem3A_228) -> (i32)  : i32 {
          %get3A = arith.index_cast %scan3A_242 : i32 to index
          %get3A_244 = arith.constant 0 : index
          %get3A_245 = tpu.vector_load %arg7[%get3A, %get3A_244] {strides = array<i32>} : memref<1024x32xf32, #tpu.memory_space<vmem>>, vector<1x16xf32>,
          %get3A_246 = vector.shape_cast %get3A_245 : vector<1x16xf32> to vector<16xf32>
          %get3A_247 = arith.index_cast %scan3A_243 : i32 to index
          %get3A_248 = arith.constant 0 : index
          %get3A_249 = tpu.vector_load %arg9[%get3A_247, %get3A_248] {strides = array<i32>} : memref<200x32xf32, #tpu.memory_space<vmem>>, vector<1x16xf32>,
          %get3A_250 = vector.shape_cast %get3A_249 : vector<1x16xf32> to vector<16xf32>
          %add3A_251 = arith.addf %get3A_246, %get3A_250 : vector<16xf32>
          %swap3A = arith.index_cast %scan3A_242 : i32 to index
          %swap3A_252 = arith.constant 0 : index
          %swap3A_253 = tpu.vector_load %arg7[%swap3A, %swap3A_252] {strides = array<i32>} : memref<1024x32xf32, #tpu.memory_space<vmem>>, vector<1x16xf32>,
          %swap3A_254 = vector.shape_cast %swap3A_253 : vector<1x16xf32> to vector<16xf32>
          %swap3A_255 = vector.shape_cast %add3A_251 : vector<16xf32> to vector<1x16xf32>
          tpu.vector_store %arg7[%swap3A, %swap3A_252], %swap3A_255 {strides = array<i32>} : memref<1024x32xf32, #tpu.memory_space<vmem>>, vector<1x16xf32>,
          %get3A_256 = arith.index_cast %scan3A_242 : i32 to index
          %get3A_257 = arith.constant 16 : index
          %get3A_258 = tpu.vector_load %arg7[%get3A_256, %get3A_257] {strides = array<i32>} : memref<1024x32xf32, #tpu.memory_space<vmem>>, vector<1x16xf32>,
          %get3A_259 = vector.shape_cast %get3A_258 : vector<1x16xf32> to vector<16xf32>
          %get3A_260 = arith.index_cast %scan3A_243 : i32 to index
          %get3A_261 = arith.constant 16 : index
          %get3A_262 = tpu.vector_load %arg9[%get3A_260, %get3A_261] {strides = array<i32>} : memref<200x32xf32, #tpu.memory_space<vmem>>, vector<1x16xf32>,
          %get3A_263 = vector.shape_cast %get3A_262 : vector<1x16xf32> to vector<16xf32>
          %add3A_264 = arith.addf %get3A_259, %get3A_263 : vector<16xf32>
          %swap3A_265 = arith.index_cast %scan3A_242 : i32 to index
          %swap3A_266 = arith.constant 16 : index
          %swap3A_267 = tpu.vector_load %arg7[%swap3A_265, %swap3A_266] {strides = array<i32>} : memref<1024x32xf32, #tpu.memory_space<vmem>>, vector<1x16xf32>,
          %swap3A_268 = vector.shape_cast %swap3A_267 : vector<1x16xf32> to vector<16xf32>
          %swap3A_269 = vector.shape_cast %add3A_264 : vector<16xf32> to vector<1x16xf32>
          tpu.vector_store %arg7[%swap3A_265, %swap3A_266], %swap3A_269 {strides = array<i32>} : memref<1024x32xf32, #tpu.memory_space<vmem>>, vector<1x16xf32>,
          %add3A_270 = arith.constant 1 : i32
          %add3A_271 = arith.addi %scan3A_243, %add3A_270 : i32
          %eq3A_272 = arith.constant 200 : i32
          %eq3A_273 = arith.cmpi eq, %add3A_271, %eq3A_272 : i32
          %select_n3A = arith.constant 0 : i32
          %select_n3A_274 = arith.select %eq3A_273, %select_n3A, %add3A_271 : i32
          scf.yield %select_n3A_274 : i32
        }
        %scan3A_234 = arith.constant 1024 : i32
        %mul3A_235 = arith.constant 1024 : i32
        %mul3A_236 = arith.muli %add3A_103, %mul3A_235 : i32
        %add3A_237 = arith.addi %mul3A_2, %mul3A_236 : i32
        %dma_start3A_238 = arith.constant 0 : i32
        %dma_start3A_239 = tpu.memref_slice %arg5[%add3A_237, %dma_start3A_238] : memref<819200x32xf32, #tpu.memory_space<hbm>> -> memref<1024x32xf32, #tpu.memory_space<hbm>>
        %dma_start3A_240 = arith.constant 0 : i32
        %dma_start3A_241 = tpu.memref_slice %arg5[%add3A_237, %dma_start3A_240] : memref<819200x32xf32, #tpu.memory_space<hbm>> -> memref<1024x32xf32, #tpu.memory_space<hbm>>
        tpu.enqueue_dma source(%arg7 : memref<1024x32xf32, #tpu.memory_space<vmem>>) target(%dma_start3A_241 : memref<1024x32xf32, #tpu.memory_space<hbm>>) target_semaphore(%arg12 : memref<!tpu.dma_semaphore, #tpu.memory_space<semaphore_mem>>)
      } else {
      }
      %rem3A_107 = arith.constant 2 : i32
      %rem3A_108 = arith.remsi %add3A_103, %rem3A_107 : i32
      %eq3A_109 = arith.constant 1 : i32
      %eq3A_110 = arith.cmpi eq, %rem3A_108, %eq3A_109 : i32
      %convert_element_type3A_111 = arith.extui %eq3A_110 : i1 to i32
      %cond3A_112 = arith.constant 0 : i32
      %cond3A_113 = arith.cmpi ne, %convert_element_type3A_111, %cond3A_112 : i32
      scf.if %cond3A_113 {
        %add3A_114 = arith.constant 1 : i32
        %add3A_115 = arith.addi %add3A_103, %add3A_114 : i32
        %lt3A = arith.constant 25 : i32
        %lt3A_116 = arith.cmpi slt, %add3A_115, %lt3A : i32
        %convert_element_type3A_117 = arith.extui %lt3A_116 : i1 to i32
        %cond3A_118 = arith.constant 0 : i32
        %cond3A_119 = arith.cmpi ne, %convert_element_type3A_117, %cond3A_118 : i32
        scf.if %cond3A_119 {
          %ge3A = arith.constant 1 : i32
          %ge3A_242 = arith.cmpi sge, %add3A_103, %ge3A : i32
          %convert_element_type3A_243 = arith.extui %ge3A_242 : i1 to i32
          %cond3A_244 = arith.constant 0 : i32
          %cond3A_245 = arith.cmpi ne, %convert_element_type3A_243, %cond3A_244 : i32
          scf.if %cond3A_245 {
            %sub3A = arith.constant 1 : i32
            %sub3A_352 = arith.subi %add3A_103, %sub3A : i32
            %mul3A_353 = arith.constant 1024 : i32
            %mul3A_354 = arith.muli %sub3A_352, %mul3A_353 : i32
            %add3A_355 = arith.addi %mul3A_2, %mul3A_354 : i32
            %dma_wait3A_356 = arith.constant 0 : i32
            %dma_wait3A_357 = tpu.memref_slice %arg5[%add3A_355, %dma_wait3A_356] : memref<819200x32xf32, #tpu.memory_space<hbm>> -> memref<1024x32xf32, #tpu.memory_space<hbm>>
            %dma_wait3A_358 = arith.constant 0 : i32
            %dma_wait3A_359 = tpu.memref_slice %arg5[%add3A_355, %dma_wait3A_358] : memref<819200x32xf32, #tpu.memory_space<hbm>> -> memref<1024x32xf32, #tpu.memory_space<hbm>>
            tpu.wait_dma2 semaphore(%arg12 : memref<!tpu.dma_semaphore, #tpu.memory_space<semaphore_mem>>) src(%arg7 : memref<1024x32xf32, #tpu.memory_space<vmem>>) dst(%dma_wait3A_359 : memref<1024x32xf32, #tpu.memory_space<hbm>>)
          } else {
          }
          %add3A_246 = arith.constant 1 : i32
          %add3A_247 = arith.addi %add3A_103, %add3A_246 : i32
          %mul3A_248 = arith.constant 8 : i32
          %mul3A_249 = arith.muli %add3A_247, %mul3A_248 : i32
          %add3A_250 = arith.constant 0 : i32
          %add3A_251 = arith.addi %mul3A_249, %add3A_250 : i32
          %dma_start3A_252 = arith.constant 0 : i32
          %dma_start3A_253 = arith.constant 0 : i32
          %dma_start3A_254 = tpu.memref_slice %arg7[%dma_start3A_252, %dma_start3A_253] : memref<1024x32xf32, #tpu.memory_space<vmem>> -> memref<128x32xf32, #tpu.memory_space<vmem>>
          %dma_start3A_255 = arith.constant 0 : i32
          %dma_start3A_256 = tpu.memref_slice %arg6[%add3A_251, %dma_start3A_255] : memref<200x128xi32, #tpu.memory_space<vmem>> -> memref<1x128xi32, #tpu.memory_space<vmem>>
          %dma_start3A_257 = tpu.memref_squeeze %dma_start3A_256 : memref<1x128xi32, #tpu.memory_space<vmem>> -> memref<128xi32, #tpu.memory_space<vmem>>
          %dma_start3A_258 = arith.constant 0 : i32
          %dma_start3A_259 = arith.constant 0 : i32
          %dma_start3A_260 = tpu.memref_slice %arg3[%dma_start3A_258, %dma_start3A_259] : memref<1000000x32xf32, #tpu.memory_space<hbm>> -> memref<1000000x32xf32, #tpu.memory_space<hbm>>
          tpu.enqueue_indirect_dma source(%dma_start3A_260 : memref<1000000x32xf32, #tpu.memory_space<hbm>>) target(%dma_start3A_254 : memref<128x32xf32, #tpu.memory_space<vmem>>) offsets(%dma_start3A_257 : memref<128xi32, #tpu.memory_space<vmem>>) semaphore(%arg10 : memref<!tpu.dma_semaphore, #tpu.memory_space<semaphore_mem>>)
          %mul3A_261 = arith.constant 8 : i32
          %mul3A_262 = arith.muli %add3A_247, %mul3A_261 : i32
          %add3A_263 = arith.constant 1 : i32
          %add3A_264 = arith.addi %mul3A_262, %add3A_263 : i32
          %dma_start3A_265 = arith.constant 128 : i32
          %dma_start3A_266 = arith.constant 0 : i32
          %dma_start3A_267 = tpu.memref_slice %arg7[%dma_start3A_265, %dma_start3A_266] : memref<1024x32xf32, #tpu.memory_space<vmem>> -> memref<128x32xf32, #tpu.memory_space<vmem>>
          %dma_start3A_268 = arith.constant 0 : i32
          %dma_start3A_269 = tpu.memref_slice %arg6[%add3A_264, %dma_start3A_268] : memref<200x128xi32, #tpu.memory_space<vmem>> -> memref<1x128xi32, #tpu.memory_space<vmem>>
          %dma_start3A_270 = tpu.memref_squeeze %dma_start3A_269 : memref<1x128xi32, #tpu.memory_space<vmem>> -> memref<128xi32, #tpu.memory_space<vmem>>
          %dma_start3A_271 = arith.constant 0 : i32
          %dma_start3A_272 = arith.constant 0 : i32
          %dma_start3A_273 = tpu.memref_slice %arg3[%dma_start3A_271, %dma_start3A_272] : memref<1000000x32xf32, #tpu.memory_space<hbm>> -> memref<1000000x32xf32, #tpu.memory_space<hbm>>
          tpu.enqueue_indirect_dma source(%dma_start3A_273 : memref<1000000x32xf32, #tpu.memory_space<hbm>>) target(%dma_start3A_267 : memref<128x32xf32, #tpu.memory_space<vmem>>) offsets(%dma_start3A_270 : memref<128xi32, #tpu.memory_space<vmem>>) semaphore(%arg10 : memref<!tpu.dma_semaphore, #tpu.memory_space<semaphore_mem>>)
          %mul3A_274 = arith.constant 8 : i32
          %mul3A_275 = arith.muli %add3A_247, %mul3A_274 : i32
          %add3A_276 = arith.constant 2 : i32
          %add3A_277 = arith.addi %mul3A_275, %add3A_276 : i32
          %dma_start3A_278 = arith.constant 256 : i32
          %dma_start3A_279 = arith.constant 0 : i32
          %dma_start3A_280 = tpu.memref_slice %arg7[%dma_start3A_278, %dma_start3A_279] : memref<1024x32xf32, #tpu.memory_space<vmem>> -> memref<128x32xf32, #tpu.memory_space<vmem>>
          %dma_start3A_281 = arith.constant 0 : i32
          %dma_start3A_282 = tpu.memref_slice %arg6[%add3A_277, %dma_start3A_281] : memref<200x128xi32, #tpu.memory_space<vmem>> -> memref<1x128xi32, #tpu.memory_space<vmem>>
          %dma_start3A_283 = tpu.memref_squeeze %dma_start3A_282 : memref<1x128xi32, #tpu.memory_space<vmem>> -> memref<128xi32, #tpu.memory_space<vmem>>
          %dma_start3A_284 = arith.constant 0 : i32
          %dma_start3A_285 = arith.constant 0 : i32
          %dma_start3A_286 = tpu.memref_slice %arg3[%dma_start3A_284, %dma_start3A_285] : memref<1000000x32xf32, #tpu.memory_space<hbm>> -> memref<1000000x32xf32, #tpu.memory_space<hbm>>
          tpu.enqueue_indirect_dma source(%dma_start3A_286 : memref<1000000x32xf32, #tpu.memory_space<hbm>>) target(%dma_start3A_280 : memref<128x32xf32, #tpu.memory_space<vmem>>) offsets(%dma_start3A_283 : memref<128xi32, #tpu.memory_space<vmem>>) semaphore(%arg10 : memref<!tpu.dma_semaphore, #tpu.memory_space<semaphore_mem>>)
          %mul3A_287 = arith.constant 8 : i32
          %mul3A_288 = arith.muli %add3A_247, %mul3A_287 : i32
          %add3A_289 = arith.constant 3 : i32
          %add3A_290 = arith.addi %mul3A_288, %add3A_289 : i32
          %dma_start3A_291 = arith.constant 384 : i32
          %dma_start3A_292 = arith.constant 0 : i32
          %dma_start3A_293 = tpu.memref_slice %arg7[%dma_start3A_291, %dma_start3A_292] : memref<1024x32xf32, #tpu.memory_space<vmem>> -> memref<128x32xf32, #tpu.memory_space<vmem>>
          %dma_start3A_294 = arith.constant 0 : i32
          %dma_start3A_295 = tpu.memref_slice %arg6[%add3A_290, %dma_start3A_294] : memref<200x128xi32, #tpu.memory_space<vmem>> -> memref<1x128xi32, #tpu.memory_space<vmem>>
          %dma_start3A_296 = tpu.memref_squeeze %dma_start3A_295 : memref<1x128xi32, #tpu.memory_space<vmem>> -> memref<128xi32, #tpu.memory_space<vmem>>
          %dma_start3A_297 = arith.constant 0 : i32
          %dma_start3A_298 = arith.constant 0 : i32
          %dma_start3A_299 = tpu.memref_slice %arg3[%dma_start3A_297, %dma_start3A_298] : memref<1000000x32xf32, #tpu.memory_space<hbm>> -> memref<1000000x32xf32, #tpu.memory_space<hbm>>
          tpu.enqueue_indirect_dma source(%dma_start3A_299 : memref<1000000x32xf32, #tpu.memory_space<hbm>>) target(%dma_start3A_293 : memref<128x32xf32, #tpu.memory_space<vmem>>) offsets(%dma_start3A_296 : memref<128xi32, #tpu.memory_space<vmem>>) semaphore(%arg10 : memref<!tpu.dma_semaphore, #tpu.memory_space<semaphore_mem>>)
          %mul3A_300 = arith.constant 8 : i32
          %mul3A_301 = arith.muli %add3A_247, %mul3A_300 : i32
          %add3A_302 = arith.constant 4 : i32
          %add3A_303 = arith.addi %mul3A_301, %add3A_302 : i32
          %dma_start3A_304 = arith.constant 512 : i32
          %dma_start3A_305 = arith.constant 0 : i32
          %dma_start3A_306 = tpu.memref_slice %arg7[%dma_start3A_304, %dma_start3A_305] : memref<1024x32xf32, #tpu.memory_space<vmem>> -> memref<128x32xf32, #tpu.memory_space<vmem>>
          %dma_start3A_307 = arith.constant 0 : i32
          %dma_start3A_308 = tpu.memref_slice %arg6[%add3A_303, %dma_start3A_307] : memref<200x128xi32, #tpu.memory_space<vmem>> -> memref<1x128xi32, #tpu.memory_space<vmem>>
          %dma_start3A_309 = tpu.memref_squeeze %dma_start3A_308 : memref<1x128xi32, #tpu.memory_space<vmem>> -> memref<128xi32, #tpu.memory_space<vmem>>
          %dma_start3A_310 = arith.constant 0 : i32
          %dma_start3A_311 = arith.constant 0 : i32
          %dma_start3A_312 = tpu.memref_slice %arg3[%dma_start3A_310, %dma_start3A_311] : memref<1000000x32xf32, #tpu.memory_space<hbm>> -> memref<1000000x32xf32, #tpu.memory_space<hbm>>
          tpu.enqueue_indirect_dma source(%dma_start3A_312 : memref<1000000x32xf32, #tpu.memory_space<hbm>>) target(%dma_start3A_306 : memref<128x32xf32, #tpu.memory_space<vmem>>) offsets(%dma_start3A_309 : memref<128xi32, #tpu.memory_space<vmem>>) semaphore(%arg10 : memref<!tpu.dma_semaphore, #tpu.memory_space<semaphore_mem>>)
          %mul3A_313 = arith.constant 8 : i32
          %mul3A_314 = arith.muli %add3A_247, %mul3A_313 : i32
          %add3A_315 = arith.constant 5 : i32
          %add3A_316 = arith.addi %mul3A_314, %add3A_315 : i32
          %dma_start3A_317 = arith.constant 640 : i32
          %dma_start3A_318 = arith.constant 0 : i32
          %dma_start3A_319 = tpu.memref_slice %arg7[%dma_start3A_317, %dma_start3A_318] : memref<1024x32xf32, #tpu.memory_space<vmem>> -> memref<128x32xf32, #tpu.memory_space<vmem>>
          %dma_start3A_320 = arith.constant 0 : i32
          %dma_start3A_321 = tpu.memref_slice %arg6[%add3A_316, %dma_start3A_320] : memref<200x128xi32, #tpu.memory_space<vmem>> -> memref<1x128xi32, #tpu.memory_space<vmem>>
          %dma_start3A_322 = tpu.memref_squeeze %dma_start3A_321 : memref<1x128xi32, #tpu.memory_space<vmem>> -> memref<128xi32, #tpu.memory_space<vmem>>
          %dma_start3A_323 = arith.constant 0 : i32
          %dma_start3A_324 = arith.constant 0 : i32
          %dma_start3A_325 = tpu.memref_slice %arg3[%dma_start3A_323, %dma_start3A_324] : memref<1000000x32xf32, #tpu.memory_space<hbm>> -> memref<1000000x32xf32, #tpu.memory_space<hbm>>
          tpu.enqueue_indirect_dma source(%dma_start3A_325 : memref<1000000x32xf32, #tpu.memory_space<hbm>>) target(%dma_start3A_319 : memref<128x32xf32, #tpu.memory_space<vmem>>) offsets(%dma_start3A_322 : memref<128xi32, #tpu.memory_space<vmem>>) semaphore(%arg10 : memref<!tpu.dma_semaphore, #tpu.memory_space<semaphore_mem>>)
          %mul3A_326 = arith.constant 8 : i32
          %mul3A_327 = arith.muli %add3A_247, %mul3A_326 : i32
          %add3A_328 = arith.constant 6 : i32
          %add3A_329 = arith.addi %mul3A_327, %add3A_328 : i32
          %dma_start3A_330 = arith.constant 768 : i32
          %dma_start3A_331 = arith.constant 0 : i32
          %dma_start3A_332 = tpu.memref_slice %arg7[%dma_start3A_330, %dma_start3A_331] : memref<1024x32xf32, #tpu.memory_space<vmem>> -> memref<128x32xf32, #tpu.memory_space<vmem>>
          %dma_start3A_333 = arith.constant 0 : i32
          %dma_start3A_334 = tpu.memref_slice %arg6[%add3A_329, %dma_start3A_333] : memref<200x128xi32, #tpu.memory_space<vmem>> -> memref<1x128xi32, #tpu.memory_space<vmem>>
          %dma_start3A_335 = tpu.memref_squeeze %dma_start3A_334 : memref<1x128xi32, #tpu.memory_space<vmem>> -> memref<128xi32, #tpu.memory_space<vmem>>
          %dma_start3A_336 = arith.constant 0 : i32
          %dma_start3A_337 = arith.constant 0 : i32
          %dma_start3A_338 = tpu.memref_slice %arg3[%dma_start3A_336, %dma_start3A_337] : memref<1000000x32xf32, #tpu.memory_space<hbm>> -> memref<1000000x32xf32, #tpu.memory_space<hbm>>
          tpu.enqueue_indirect_dma source(%dma_start3A_338 : memref<1000000x32xf32, #tpu.memory_space<hbm>>) target(%dma_start3A_332 : memref<128x32xf32, #tpu.memory_space<vmem>>) offsets(%dma_start3A_335 : memref<128xi32, #tpu.memory_space<vmem>>) semaphore(%arg10 : memref<!tpu.dma_semaphore, #tpu.memory_space<semaphore_mem>>)
          %mul3A_339 = arith.constant 8 : i32
          %mul3A_340 = arith.muli %add3A_247, %mul3A_339 : i32
          %add3A_341 = arith.constant 7 : i32
          %add3A_342 = arith.addi %mul3A_340, %add3A_341 : i32
          %dma_start3A_343 = arith.constant 896 : i32
          %dma_start3A_344 = arith.constant 0 : i32
          %dma_start3A_345 = tpu.memref_slice %arg7[%dma_start3A_343, %dma_start3A_344] : memref<1024x32xf32, #tpu.memory_space<vmem>> -> memref<128x32xf32, #tpu.memory_space<vmem>>
          %dma_start3A_346 = arith.constant 0 : i32
          %dma_start3A_347 = tpu.memref_slice %arg6[%add3A_342, %dma_start3A_346] : memref<200x128xi32, #tpu.memory_space<vmem>> -> memref<1x128xi32, #tpu.memory_space<vmem>>
          %dma_start3A_348 = tpu.memref_squeeze %dma_start3A_347 : memref<1x128xi32, #tpu.memory_space<vmem>> -> memref<128xi32, #tpu.memory_space<vmem>>
          %dma_start3A_349 = arith.constant 0 : i32
          %dma_start3A_350 = arith.constant 0 : i32
          %dma_start3A_351 = tpu.memref_slice %arg3[%dma_start3A_349, %dma_start3A_350] : memref<1000000x32xf32, #tpu.memory_space<hbm>> -> memref<1000000x32xf32, #tpu.memory_space<hbm>>
          tpu.enqueue_indirect_dma source(%dma_start3A_351 : memref<1000000x32xf32, #tpu.memory_space<hbm>>) target(%dma_start3A_345 : memref<128x32xf32, #tpu.memory_space<vmem>>) offsets(%dma_start3A_348 : memref<128xi32, #tpu.memory_space<vmem>>) semaphore(%arg10 : memref<!tpu.dma_semaphore, #tpu.memory_space<semaphore_mem>>)
        } else {
        }
        %mul3A_120 = arith.constant 8 : i32
        %mul3A_121 = arith.muli %add3A_103, %mul3A_120 : i32
        %add3A_122 = arith.constant 0 : i32
        %add3A_123 = arith.addi %mul3A_121, %add3A_122 : i32
        %dma_wait3A_124 = arith.constant 0 : i32
        %dma_wait3A_125 = arith.constant 0 : i32
        %dma_wait3A_126 = tpu.memref_slice %arg8[%dma_wait3A_124, %dma_wait3A_125] : memref<1024x32xf32, #tpu.memory_space<vmem>> -> memref<128x32xf32, #tpu.memory_space<vmem>>
        %dma_wait3A_127 = arith.constant 0 : i32
        %dma_wait3A_128 = tpu.memref_slice %arg6[%add3A_123, %dma_wait3A_127] : memref<200x128xi32, #tpu.memory_space<vmem>> -> memref<1x128xi32, #tpu.memory_space<vmem>>
        %dma_wait3A_129 = tpu.memref_squeeze %dma_wait3A_128 : memref<1x128xi32, #tpu.memory_space<vmem>> -> memref<128xi32, #tpu.memory_space<vmem>>
        %dma_wait3A_130 = arith.constant 0 : i32
        %dma_wait3A_131 = arith.constant 0 : i32
        %dma_wait3A_132 = tpu.memref_slice %arg3[%dma_wait3A_130, %dma_wait3A_131] : memref<1000000x32xf32, #tpu.memory_space<hbm>> -> memref<1000000x32xf32, #tpu.memory_space<hbm>>
        tpu.wait_indirect_dma semaphore(%arg11 : memref<!tpu.dma_semaphore, #tpu.memory_space<semaphore_mem>>) src(%dma_wait3A_132 : memref<1000000x32xf32, #tpu.memory_space<hbm>>) dst(%dma_wait3A_126 : memref<128x32xf32, #tpu.memory_space<vmem>>)
        %mul3A_133 = arith.constant 8 : i32
        %mul3A_134 = arith.muli %add3A_103, %mul3A_133 : i32
        %add3A_135 = arith.constant 1 : i32
        %add3A_136 = arith.addi %mul3A_134, %add3A_135 : i32
        %dma_wait3A_137 = arith.constant 128 : i32
        %dma_wait3A_138 = arith.constant 0 : i32
        %dma_wait3A_139 = tpu.memref_slice %arg8[%dma_wait3A_137, %dma_wait3A_138] : memref<1024x32xf32, #tpu.memory_space<vmem>> -> memref<128x32xf32, #tpu.memory_space<vmem>>
        %dma_wait3A_140 = arith.constant 0 : i32
        %dma_wait3A_141 = tpu.memref_slice %arg6[%add3A_136, %dma_wait3A_140] : memref<200x128xi32, #tpu.memory_space<vmem>> -> memref<1x128xi32, #tpu.memory_space<vmem>>
        %dma_wait3A_142 = tpu.memref_squeeze %dma_wait3A_141 : memref<1x128xi32, #tpu.memory_space<vmem>> -> memref<128xi32, #tpu.memory_space<vmem>>
        %dma_wait3A_143 = arith.constant 0 : i32
        %dma_wait3A_144 = arith.constant 0 : i32
        %dma_wait3A_145 = tpu.memref_slice %arg3[%dma_wait3A_143, %dma_wait3A_144] : memref<1000000x32xf32, #tpu.memory_space<hbm>> -> memref<1000000x32xf32, #tpu.memory_space<hbm>>
        tpu.wait_indirect_dma semaphore(%arg11 : memref<!tpu.dma_semaphore, #tpu.memory_space<semaphore_mem>>) src(%dma_wait3A_145 : memref<1000000x32xf32, #tpu.memory_space<hbm>>) dst(%dma_wait3A_139 : memref<128x32xf32, #tpu.memory_space<vmem>>)
        %mul3A_146 = arith.constant 8 : i32
        %mul3A_147 = arith.muli %add3A_103, %mul3A_146 : i32
        %add3A_148 = arith.constant 2 : i32
        %add3A_149 = arith.addi %mul3A_147, %add3A_148 : i32
        %dma_wait3A_150 = arith.constant 256 : i32
        %dma_wait3A_151 = arith.constant 0 : i32
        %dma_wait3A_152 = tpu.memref_slice %arg8[%dma_wait3A_150, %dma_wait3A_151] : memref<1024x32xf32, #tpu.memory_space<vmem>> -> memref<128x32xf32, #tpu.memory_space<vmem>>
        %dma_wait3A_153 = arith.constant 0 : i32
        %dma_wait3A_154 = tpu.memref_slice %arg6[%add3A_149, %dma_wait3A_153] : memref<200x128xi32, #tpu.memory_space<vmem>> -> memref<1x128xi32, #tpu.memory_space<vmem>>
        %dma_wait3A_155 = tpu.memref_squeeze %dma_wait3A_154 : memref<1x128xi32, #tpu.memory_space<vmem>> -> memref<128xi32, #tpu.memory_space<vmem>>
        %dma_wait3A_156 = arith.constant 0 : i32
        %dma_wait3A_157 = arith.constant 0 : i32
        %dma_wait3A_158 = tpu.memref_slice %arg3[%dma_wait3A_156, %dma_wait3A_157] : memref<1000000x32xf32, #tpu.memory_space<hbm>> -> memref<1000000x32xf32, #tpu.memory_space<hbm>>
        tpu.wait_indirect_dma semaphore(%arg11 : memref<!tpu.dma_semaphore, #tpu.memory_space<semaphore_mem>>) src(%dma_wait3A_158 : memref<1000000x32xf32, #tpu.memory_space<hbm>>) dst(%dma_wait3A_152 : memref<128x32xf32, #tpu.memory_space<vmem>>)
        %mul3A_159 = arith.constant 8 : i32
        %mul3A_160 = arith.muli %add3A_103, %mul3A_159 : i32
        %add3A_161 = arith.constant 3 : i32
        %add3A_162 = arith.addi %mul3A_160, %add3A_161 : i32
        %dma_wait3A_163 = arith.constant 384 : i32
        %dma_wait3A_164 = arith.constant 0 : i32
        %dma_wait3A_165 = tpu.memref_slice %arg8[%dma_wait3A_163, %dma_wait3A_164] : memref<1024x32xf32, #tpu.memory_space<vmem>> -> memref<128x32xf32, #tpu.memory_space<vmem>>
        %dma_wait3A_166 = arith.constant 0 : i32
        %dma_wait3A_167 = tpu.memref_slice %arg6[%add3A_162, %dma_wait3A_166] : memref<200x128xi32, #tpu.memory_space<vmem>> -> memref<1x128xi32, #tpu.memory_space<vmem>>
        %dma_wait3A_168 = tpu.memref_squeeze %dma_wait3A_167 : memref<1x128xi32, #tpu.memory_space<vmem>> -> memref<128xi32, #tpu.memory_space<vmem>>
        %dma_wait3A_169 = arith.constant 0 : i32
        %dma_wait3A_170 = arith.constant 0 : i32
        %dma_wait3A_171 = tpu.memref_slice %arg3[%dma_wait3A_169, %dma_wait3A_170] : memref<1000000x32xf32, #tpu.memory_space<hbm>> -> memref<1000000x32xf32, #tpu.memory_space<hbm>>
        tpu.wait_indirect_dma semaphore(%arg11 : memref<!tpu.dma_semaphore, #tpu.memory_space<semaphore_mem>>) src(%dma_wait3A_171 : memref<1000000x32xf32, #tpu.memory_space<hbm>>) dst(%dma_wait3A_165 : memref<128x32xf32, #tpu.memory_space<vmem>>)
        %mul3A_172 = arith.constant 8 : i32
        %mul3A_173 = arith.muli %add3A_103, %mul3A_172 : i32
        %add3A_174 = arith.constant 4 : i32
        %add3A_175 = arith.addi %mul3A_173, %add3A_174 : i32
        %dma_wait3A_176 = arith.constant 512 : i32
        %dma_wait3A_177 = arith.constant 0 : i32
        %dma_wait3A_178 = tpu.memref_slice %arg8[%dma_wait3A_176, %dma_wait3A_177] : memref<1024x32xf32, #tpu.memory_space<vmem>> -> memref<128x32xf32, #tpu.memory_space<vmem>>
        %dma_wait3A_179 = arith.constant 0 : i32
        %dma_wait3A_180 = tpu.memref_slice %arg6[%add3A_175, %dma_wait3A_179] : memref<200x128xi32, #tpu.memory_space<vmem>> -> memref<1x128xi32, #tpu.memory_space<vmem>>
        %dma_wait3A_181 = tpu.memref_squeeze %dma_wait3A_180 : memref<1x128xi32, #tpu.memory_space<vmem>> -> memref<128xi32, #tpu.memory_space<vmem>>
        %dma_wait3A_182 = arith.constant 0 : i32
        %dma_wait3A_183 = arith.constant 0 : i32
        %dma_wait3A_184 = tpu.memref_slice %arg3[%dma_wait3A_182, %dma_wait3A_183] : memref<1000000x32xf32, #tpu.memory_space<hbm>> -> memref<1000000x32xf32, #tpu.memory_space<hbm>>
        tpu.wait_indirect_dma semaphore(%arg11 : memref<!tpu.dma_semaphore, #tpu.memory_space<semaphore_mem>>) src(%dma_wait3A_184 : memref<1000000x32xf32, #tpu.memory_space<hbm>>) dst(%dma_wait3A_178 : memref<128x32xf32, #tpu.memory_space<vmem>>)
        %mul3A_185 = arith.constant 8 : i32
        %mul3A_186 = arith.muli %add3A_103, %mul3A_185 : i32
        %add3A_187 = arith.constant 5 : i32
        %add3A_188 = arith.addi %mul3A_186, %add3A_187 : i32
        %dma_wait3A_189 = arith.constant 640 : i32
        %dma_wait3A_190 = arith.constant 0 : i32
        %dma_wait3A_191 = tpu.memref_slice %arg8[%dma_wait3A_189, %dma_wait3A_190] : memref<1024x32xf32, #tpu.memory_space<vmem>> -> memref<128x32xf32, #tpu.memory_space<vmem>>
        %dma_wait3A_192 = arith.constant 0 : i32
        %dma_wait3A_193 = tpu.memref_slice %arg6[%add3A_188, %dma_wait3A_192] : memref<200x128xi32, #tpu.memory_space<vmem>> -> memref<1x128xi32, #tpu.memory_space<vmem>>
        %dma_wait3A_194 = tpu.memref_squeeze %dma_wait3A_193 : memref<1x128xi32, #tpu.memory_space<vmem>> -> memref<128xi32, #tpu.memory_space<vmem>>
        %dma_wait3A_195 = arith.constant 0 : i32
        %dma_wait3A_196 = arith.constant 0 : i32
        %dma_wait3A_197 = tpu.memref_slice %arg3[%dma_wait3A_195, %dma_wait3A_196] : memref<1000000x32xf32, #tpu.memory_space<hbm>> -> memref<1000000x32xf32, #tpu.memory_space<hbm>>
        tpu.wait_indirect_dma semaphore(%arg11 : memref<!tpu.dma_semaphore, #tpu.memory_space<semaphore_mem>>) src(%dma_wait3A_197 : memref<1000000x32xf32, #tpu.memory_space<hbm>>) dst(%dma_wait3A_191 : memref<128x32xf32, #tpu.memory_space<vmem>>)
        %mul3A_198 = arith.constant 8 : i32
        %mul3A_199 = arith.muli %add3A_103, %mul3A_198 : i32
        %add3A_200 = arith.constant 6 : i32
        %add3A_201 = arith.addi %mul3A_199, %add3A_200 : i32
        %dma_wait3A_202 = arith.constant 768 : i32
        %dma_wait3A_203 = arith.constant 0 : i32
        %dma_wait3A_204 = tpu.memref_slice %arg8[%dma_wait3A_202, %dma_wait3A_203] : memref<1024x32xf32, #tpu.memory_space<vmem>> -> memref<128x32xf32, #tpu.memory_space<vmem>>
        %dma_wait3A_205 = arith.constant 0 : i32
        %dma_wait3A_206 = tpu.memref_slice %arg6[%add3A_201, %dma_wait3A_205] : memref<200x128xi32, #tpu.memory_space<vmem>> -> memref<1x128xi32, #tpu.memory_space<vmem>>
        %dma_wait3A_207 = tpu.memref_squeeze %dma_wait3A_206 : memref<1x128xi32, #tpu.memory_space<vmem>> -> memref<128xi32, #tpu.memory_space<vmem>>
        %dma_wait3A_208 = arith.constant 0 : i32
        %dma_wait3A_209 = arith.constant 0 : i32
        %dma_wait3A_210 = tpu.memref_slice %arg3[%dma_wait3A_208, %dma_wait3A_209] : memref<1000000x32xf32, #tpu.memory_space<hbm>> -> memref<1000000x32xf32, #tpu.memory_space<hbm>>
        tpu.wait_indirect_dma semaphore(%arg11 : memref<!tpu.dma_semaphore, #tpu.memory_space<semaphore_mem>>) src(%dma_wait3A_210 : memref<1000000x32xf32, #tpu.memory_space<hbm>>) dst(%dma_wait3A_204 : memref<128x32xf32, #tpu.memory_space<vmem>>)
        %mul3A_211 = arith.constant 8 : i32
        %mul3A_212 = arith.muli %add3A_103, %mul3A_211 : i32
        %add3A_213 = arith.constant 7 : i32
        %add3A_214 = arith.addi %mul3A_212, %add3A_213 : i32
        %dma_wait3A_215 = arith.constant 896 : i32
        %dma_wait3A_216 = arith.constant 0 : i32
        %dma_wait3A_217 = tpu.memref_slice %arg8[%dma_wait3A_215, %dma_wait3A_216] : memref<1024x32xf32, #tpu.memory_space<vmem>> -> memref<128x32xf32, #tpu.memory_space<vmem>>
        %dma_wait3A_218 = arith.constant 0 : i32
        %dma_wait3A_219 = tpu.memref_slice %arg6[%add3A_214, %dma_wait3A_218] : memref<200x128xi32, #tpu.memory_space<vmem>> -> memref<1x128xi32, #tpu.memory_space<vmem>>
        %dma_wait3A_220 = tpu.memref_squeeze %dma_wait3A_219 : memref<1x128xi32, #tpu.memory_space<vmem>> -> memref<128xi32, #tpu.memory_space<vmem>>
        %dma_wait3A_221 = arith.constant 0 : i32
        %dma_wait3A_222 = arith.constant 0 : i32
        %dma_wait3A_223 = tpu.memref_slice %arg3[%dma_wait3A_221, %dma_wait3A_222] : memref<1000000x32xf32, #tpu.memory_space<hbm>> -> memref<1000000x32xf32, #tpu.memory_space<hbm>>
        tpu.wait_indirect_dma semaphore(%arg11 : memref<!tpu.dma_semaphore, #tpu.memory_space<semaphore_mem>>) src(%dma_wait3A_223 : memref<1000000x32xf32, #tpu.memory_space<hbm>>) dst(%dma_wait3A_217 : memref<128x32xf32, #tpu.memory_space<vmem>>)
        %mul3A_224 = arith.constant 1024 : i32
        %mul3A_225 = arith.muli %add3A_103, %mul3A_224 : i32
        %add3A_226 = arith.addi %mul3A_2, %mul3A_225 : i32
        %rem3A_227 = arith.constant 200 : i32
        %rem3A_228 = arith.remsi %add3A_226, %rem3A_227 : i32
        %scan3A_229 = arith.constant 0 : i32
        %scan3A_230 = arith.constant 1024 : i32
        %scan3A_231 = arith.addi %scan3A_229, %scan3A_230 : i32
        %scan3A_232 = arith.constant 1 : i32
        %scan3A_233 = scf.for %scan3A_242 = %scan3A_229 to %scan3A_231 step %scan3A_232 iter_args(%scan3A_243 = %rem3A_228) -> (i32)  : i32 {
          %get3A = arith.index_cast %scan3A_242 : i32 to index
          %get3A_244 = arith.constant 0 : index
          %get3A_245 = tpu.vector_load %arg8[%get3A, %get3A_244] {strides = array<i32>} : memref<1024x32xf32, #tpu.memory_space<vmem>>, vector<1x16xf32>,
          %get3A_246 = vector.shape_cast %get3A_245 : vector<1x16xf32> to vector<16xf32>
          %get3A_247 = arith.index_cast %scan3A_243 : i32 to index
          %get3A_248 = arith.constant 0 : index
          %get3A_249 = tpu.vector_load %arg9[%get3A_247, %get3A_248] {strides = array<i32>} : memref<200x32xf32, #tpu.memory_space<vmem>>, vector<1x16xf32>,
          %get3A_250 = vector.shape_cast %get3A_249 : vector<1x16xf32> to vector<16xf32>
          %add3A_251 = arith.addf %get3A_246, %get3A_250 : vector<16xf32>
          %swap3A = arith.index_cast %scan3A_242 : i32 to index
          %swap3A_252 = arith.constant 0 : index
          %swap3A_253 = tpu.vector_load %arg8[%swap3A, %swap3A_252] {strides = array<i32>} : memref<1024x32xf32, #tpu.memory_space<vmem>>, vector<1x16xf32>,
          %swap3A_254 = vector.shape_cast %swap3A_253 : vector<1x16xf32> to vector<16xf32>
          %swap3A_255 = vector.shape_cast %add3A_251 : vector<16xf32> to vector<1x16xf32>
          tpu.vector_store %arg8[%swap3A, %swap3A_252], %swap3A_255 {strides = array<i32>} : memref<1024x32xf32, #tpu.memory_space<vmem>>, vector<1x16xf32>,
          %get3A_256 = arith.index_cast %scan3A_242 : i32 to index
          %get3A_257 = arith.constant 16 : index
          %get3A_258 = tpu.vector_load %arg8[%get3A_256, %get3A_257] {strides = array<i32>} : memref<1024x32xf32, #tpu.memory_space<vmem>>, vector<1x16xf32>,
          %get3A_259 = vector.shape_cast %get3A_258 : vector<1x16xf32> to vector<16xf32>
          %get3A_260 = arith.index_cast %scan3A_243 : i32 to index
          %get3A_261 = arith.constant 16 : index
          %get3A_262 = tpu.vector_load %arg9[%get3A_260, %get3A_261] {strides = array<i32>} : memref<200x32xf32, #tpu.memory_space<vmem>>, vector<1x16xf32>,
          %get3A_263 = vector.shape_cast %get3A_262 : vector<1x16xf32> to vector<16xf32>
          %add3A_264 = arith.addf %get3A_259, %get3A_263 : vector<16xf32>
          %swap3A_265 = arith.index_cast %scan3A_242 : i32 to index
          %swap3A_266 = arith.constant 16 : index
          %swap3A_267 = tpu.vector_load %arg8[%swap3A_265, %swap3A_266] {strides = array<i32>} : memref<1024x32xf32, #tpu.memory_space<vmem>>, vector<1x16xf32>,
          %swap3A_268 = vector.shape_cast %swap3A_267 : vector<1x16xf32> to vector<16xf32>
          %swap3A_269 = vector.shape_cast %add3A_264 : vector<16xf32> to vector<1x16xf32>
          tpu.vector_store %arg8[%swap3A_265, %swap3A_266], %swap3A_269 {strides = array<i32>} : memref<1024x32xf32, #tpu.memory_space<vmem>>, vector<1x16xf32>,
          %add3A_270 = arith.constant 1 : i32
          %add3A_271 = arith.addi %scan3A_243, %add3A_270 : i32
          %eq3A_272 = arith.constant 200 : i32
          %eq3A_273 = arith.cmpi eq, %add3A_271, %eq3A_272 : i32
          %select_n3A = arith.constant 0 : i32
          %select_n3A_274 = arith.select %eq3A_273, %select_n3A, %add3A_271 : i32
          scf.yield %select_n3A_274 : i32
        }
        %scan3A_234 = arith.constant 1024 : i32
        %mul3A_235 = arith.constant 1024 : i32
        %mul3A_236 = arith.muli %add3A_103, %mul3A_235 : i32
        %add3A_237 = arith.addi %mul3A_2, %mul3A_236 : i32
        %dma_start3A_238 = arith.constant 0 : i32
        %dma_start3A_239 = tpu.memref_slice %arg5[%add3A_237, %dma_start3A_238] : memref<819200x32xf32, #tpu.memory_space<hbm>> -> memref<1024x32xf32, #tpu.memory_space<hbm>>
        %dma_start3A_240 = arith.constant 0 : i32
        %dma_start3A_241 = tpu.memref_slice %arg5[%add3A_237, %dma_start3A_240] : memref<819200x32xf32, #tpu.memory_space<hbm>> -> memref<1024x32xf32, #tpu.memory_space<hbm>>
        tpu.enqueue_dma source(%arg8 : memref<1024x32xf32, #tpu.memory_space<vmem>>) target(%dma_start3A_241 : memref<1024x32xf32, #tpu.memory_space<hbm>>) target_semaphore(%arg13 : memref<!tpu.dma_semaphore, #tpu.memory_space<semaphore_mem>>)
      } else {
      }
    }
    %scan3A_87 = arith.constant 25 : i32
    %add3A_88 = arith.constant 23552 : i32
    %add3A_89 = arith.addi %mul3A_2, %add3A_88 : i32
    %dma_wait3A = arith.constant 0 : i32
    %dma_wait3A_90 = tpu.memref_slice %arg5[%add3A_89, %dma_wait3A] : memref<819200x32xf32, #tpu.memory_space<hbm>> -> memref<1024x32xf32, #tpu.memory_space<hbm>>
    %dma_wait3A_91 = arith.constant 0 : i32
    %dma_wait3A_92 = tpu.memref_slice %arg5[%add3A_89, %dma_wait3A_91] : memref<819200x32xf32, #tpu.memory_space<hbm>> -> memref<1024x32xf32, #tpu.memory_space<hbm>>
    tpu.wait_dma2 semaphore(%arg13 : memref<!tpu.dma_semaphore, #tpu.memory_space<semaphore_mem>>) src(%arg8 : memref<1024x32xf32, #tpu.memory_space<vmem>>) dst(%dma_wait3A_92 : memref<1024x32xf32, #tpu.memory_space<hbm>>)
    %add3A_93 = arith.constant 24576 : i32
    %add3A_94 = arith.addi %mul3A_2, %add3A_93 : i32
    %dma_wait3A_95 = arith.constant 0 : i32
    %dma_wait3A_96 = tpu.memref_slice %arg5[%add3A_94, %dma_wait3A_95] : memref<819200x32xf32, #tpu.memory_space<hbm>> -> memref<1024x32xf32, #tpu.memory_space<hbm>>
    %dma_wait3A_97 = arith.constant 0 : i32
    %dma_wait3A_98 = tpu.memref_slice %arg5[%add3A_94, %dma_wait3A_97] : memref<819200x32xf32, #tpu.memory_space<hbm>> -> memref<1024x32xf32, #tpu.memory_space<hbm>>
    tpu.wait_dma2 semaphore(%arg12 : memref<!tpu.dma_semaphore, #tpu.memory_space<semaphore_mem>>) src(%arg7 : memref<1024x32xf32, #tpu.memory_space<vmem>>) dst(%dma_wait3A_98 : memref<1024x32xf32, #tpu.memory_space<hbm>>)
    return
  }
}

module attributes {stable_mosaic.version = 14 : i64} {
  func.func @tbody(%arg0: i32, %arg1: memref<32x2048xf32, #tpu.memory_space<vmem>>, %arg2: memref<512x128xf32, #tpu.memory_space<vmem>>) attributes {dimension_semantics = [#tpu.dimension_semantics<arbitrary>], iteration_bounds = array<i64: 489>, scalar_prefetch = 0 : i64, scratch_operands = 0 : i64, tpu.core_type = #tpu.core_type<tc>, window_params = [{transform_indices = @transform_0, window_bounds = array<i64: 32, 2048>}, {transform_indices = @transform_1, window_bounds = array<i64: 512, 128>}]} {
    %get3A = arith.constant 0 : index
    %get3A_0 = arith.constant 0 : index
    %get3A_1 = vector.load %arg1[%get3A, %get3A_0] : memref<32x2048xf32, #tpu.memory_space<vmem>>, vector<32x2048xf32>
    %transpose3A = tpu.transpose %get3A_1, [1, 0] : vector<32x2048xf32> -> vector<2048x32xf32>
    %reshape3A = vector.shape_cast %transpose3A : vector<2048x32xf32> to vector<512x4x32xf32>
    %slice3A = vector.extract_strided_slice %reshape3A {offsets = [0, 0, 0], sizes = [512, 1, 32], strides = [1, 1, 1]} : vector<512x4x32xf32> to vector<512x1x32xf32>
    %squeeze3A = vector.shape_cast %slice3A : vector<512x1x32xf32> to vector<512x32xf32>
    %swap3A = arith.constant 0 : index
    %swap3A_2 = arith.constant 0 : index
    %swap3A_3 = vector.load %arg2[%swap3A, %swap3A_2] : memref<512x128xf32, #tpu.memory_space<vmem>>, vector<512x32xf32>
    tpu.vector_store %arg2[%swap3A, %swap3A_2], %squeeze3A {strides = array<i32>} : memref<512x128xf32, #tpu.memory_space<vmem>>, vector<512x32xf32>,
    %slice3A_4 = vector.extract_strided_slice %reshape3A {offsets = [0, 1, 0], sizes = [512, 1, 32], strides = [1, 1, 1]} : vector<512x4x32xf32> to vector<512x1x32xf32>
    %squeeze3A_5 = vector.shape_cast %slice3A_4 : vector<512x1x32xf32> to vector<512x32xf32>
    %swap3A_6 = arith.constant 0 : index
    %swap3A_7 = arith.constant 32 : index
    %swap3A_8 = vector.load %arg2[%swap3A_6, %swap3A_7] : memref<512x128xf32, #tpu.memory_space<vmem>>, vector<512x32xf32>
    tpu.vector_store %arg2[%swap3A_6, %swap3A_7], %squeeze3A_5 {strides = array<i32>} : memref<512x128xf32, #tpu.memory_space<vmem>>, vector<512x32xf32>,
    %slice3A_9 = vector.extract_strided_slice %reshape3A {offsets = [0, 2, 0], sizes = [512, 1, 32], strides = [1, 1, 1]} : vector<512x4x32xf32> to vector<512x1x32xf32>
    %squeeze3A_10 = vector.shape_cast %slice3A_9 : vector<512x1x32xf32> to vector<512x32xf32>
    %swap3A_11 = arith.constant 0 : index
    %swap3A_12 = arith.constant 64 : index
    %swap3A_13 = vector.load %arg2[%swap3A_11, %swap3A_12] : memref<512x128xf32, #tpu.memory_space<vmem>>, vector<512x32xf32>
    tpu.vector_store %arg2[%swap3A_11, %swap3A_12], %squeeze3A_10 {strides = array<i32>} : memref<512x128xf32, #tpu.memory_space<vmem>>, vector<512x32xf32>,
    %slice3A_14 = vector.extract_strided_slice %reshape3A {offsets = [0, 3, 0], sizes = [512, 1, 32], strides = [1, 1, 1]} : vector<512x4x32xf32> to vector<512x1x32xf32>
    %squeeze3A_15 = vector.shape_cast %slice3A_14 : vector<512x1x32xf32> to vector<512x32xf32>
    %swap3A_16 = arith.constant 0 : index
    %swap3A_17 = arith.constant 96 : index
    %swap3A_18 = vector.load %arg2[%swap3A_16, %swap3A_17] : memref<512x128xf32, #tpu.memory_space<vmem>>, vector<512x32xf32>
    tpu.vector_store %arg2[%swap3A_16, %swap3A_17], %squeeze3A_15 {strides = array<i32>} : memref<512x128xf32, #tpu.memory_space<vmem>>, vector<512x32xf32>,
    return
  }
  func.func @transform_0(%arg0: i32) -> (i32, i32) {
    %c0_i32 = arith.constant 0 : i32
    %c0_i32_0 = arith.constant 0 : i32
    return %c0_i32, %arg0 : i32, i32
  }
  func.func @transform_1(%arg0: i32) -> (i32, i32) {
    %c0_i32 = arith.constant 0 : i32
    %c0_i32_0 = arith.constant 0 : i32
    return %arg0, %c0_i32 : i32, i32
  }
}

</mosaic_0001>

<sc_bundles>
// kernel: kernel.4.cloned.1.call-start
scs
__scs_entry_jumppad:
0x0: {  	(pc) =	sbr.rel $0x88, $3  }
0x1: {  	(tag) =	ssettag $0x0;
	lr =	simm.s32 $0x1  }
0x2: {  	[smem:$0x3F9E] =	sst lr;
	_ =	strace $0xD0000000  }
0x3: {  	_ = 	snop  }
0x4: {  	_ = 	snop  }
0x5: {  	_ = 	snop  }
0x6: {  	_ = 	snop  }
0x7: {  	_ = 	snop  }
__scs_overlays_trampoline_lowered:
0x8: {  	[smem:$0x3FAD] =	sst s0  }
0x9: {  	[smem:$0x3FAE] =	sst s1  }
0xa: {  	[smem:$0x3FAF] =	sst s2  }
0xb: {  	[smem:$0x3FB0] =	sst s3  }
0xc: {  	[smem:$0x3FB1] =	sst s4  }
0xd: {  	[smem:$0x3FB2] =	sst s5  }
0xe: {  	[smem:$0x3FB3] =	sst s6  }
0xf: {  	[smem:$0x3FB4] =	sst s7  }
0x10: {  	[smem:$0x3FB5] =	sst s8  }
0x11: {  	[smem:$0x3FB6] =	sst s9;
	s0 =	simm.s32 @!p0 $0x0  }
0x12: {  	s1 =	sld [smem:$0x3F9C];
	s0 =	simm.s32 @p0 $0x1  }
0x13: {  	[smem:$0x3FB7] =	sst s0;
	s0 =	simm.s32 @!p1 $0x0  }
0x14: {  	s2 =	sld [smem:$0x3F9B];
	s0 =	simm.s32 @p1 $0x1  }
0x15: {  	[smem:$0x3FB8] =	sst s0;
	s0 =	simm.s32 @!p2 $0x0  }
0x16: {  	s3 =	sld [smem:$0x3FDB];
	s0 =	simm.s32 @p2 $0x1  }
0x17: {  	s4 =	simm.s32 $0x1BF5;
	[smem:$0x3FBA] =	sst s0  }
0x18: {  	s0 =	sld [smem:$0x3F9D];
	_ =	swait.ge [sflag:s4], $0x0  }
0x19: {  	s7 =	sld [smem:$0x3F9E]  }
0x1a: {  	s8 =	sadd.s32 $0xFFFFE003, lr  }
0x1b: {  	s9 =	sadd.s32 $0xFFFFFEF7, lr;
	s5 =	simm.s32 $0xFFFFFFFF;
	p2 =	slt.u32 s8, $0xFFFFF086  }
0x1c: {  	p1 =	slt.u32 s9, $0xF7A;
	s5 =	simm.s32 @!p2 $0x0  }
0x1d: {  	s5 =	simm.s32 @p1 $0x1;
	p0 =	seq.s32 s7, s2  }
0x1e: {  	s7 =	smul.u32 @!p0 $0xF7A, s2;
	p2 =	seq.s32 @!p0 s5, $0x0  }
0x1f: {  	s9 =	smul.u32 $0xF7A, s1;
	s8 =	simm.s32 @!p0 $0x1BF5;
	p2 =	por !p2, p0  }
0x20: {  	[sflag:s8] =	ssyncset.s32 @!p0 $0xFFFFF086;
	s6 =	sadd.s32 @!p0 s3, s7;
	s7 =	simm.s32 @!p0 $0x108  }
0x21: {  	s3 =	sadd.s32 s3, s9;
	s6 =	sadd.s32 @!p0 $0x88, s6;
	s7 =	simm.s32 @p2 $0x1082  }
0x22: {  	[simem:s7], [sflag:s8] =	dma.local @!p0 [hbm:s6], $0xF7A  }
0x23: {  	s9 =	sor.u32 $0xD0000000, s2;
	s6 =	simm.s32 $0x108;
	_ =	swait.ge @!p0 [sflag:s8], $0x0  }
0x24: {  	s3 =	sadd.s32 $0x88, s3;
	s6 =	simm.s32 @!p1 $0x1082;
	[sflag:s4] =	ssyncset.s32 $0xFFFFF086  }
0x25: {  	[simem:s6], [sflag:s4] =	dma.local [hbm:s3], $0xF7A  }
0x26: {  	[smem:$0x3F9E] =	sst s1;
	(tag) =	ssettag s2;
	_ =	strace s9  }
0x27: {  	s1 =	sld [smem:$0x3FAE]  }
0x28: {  	s2 =	sld [smem:$0x3FAF]  }
0x29: {  	s4 =	sld [smem:$0x3FB1]  }
0x2a: {  	p0 =	seq.s32 s5, $0x0;
	s5 =	sld [smem:$0x3FB2]  }
0x2b: {  	s6 =	sld [smem:$0x3FB3]  }
0x2c: {  	s7 =	sld [smem:$0x3FB4]  }
0x2d: {  	s3 =	simm.s32 $0x108;
	s8 =	sld [smem:$0x3FB5]  }
0x2e: {  	s3 =	simm.s32 @!p0 $0x1082;
	s9 =	sld [smem:$0x3FB6]  }
0x2f: {  	lr =	sadd.s32 s0, s3;
	s0 =	sld [smem:$0x3FAD]  }
0x30: {  	s3 =	sld [smem:$0x3FB0]  }
0x31: {  	[smem:$0x3FB9] =	sst s10  }
0x32: {  	s10 =	sld [smem:$0x3FB7];
	_ =	sdelay $0x3  }
0x33: {  	p0 =	seq.s32 s10, $0x1;
	s10 =	sld [smem:$0x3FB9];
	_ =	sdelay $0x3  }
0x34: {  	[smem:$0x3FB9] =	sst s10  }
0x35: {  	s10 =	sld [smem:$0x3FB8];
	_ =	sdelay $0x3  }
0x36: {  	p1 =	seq.s32 s10, $0x1;
	s10 =	sld [smem:$0x3FB9];
	_ =	sdelay $0x3  }
0x37: {  	[smem:$0x3FB9] =	sst s10  }
0x38: {  	s10 =	sld [smem:$0x3FBA]  }
0x39: {  	_ = 	snop;
	(pc) =	sbr.ind lr, $3  }
0x3a: {  	_ = 	snop  }
0x3b: {  	_ = 	snop  }
0x3c: {  	p2 =	seq.s32 s10, $0x1;
	s10 =	sld [smem:$0x3FB9]  }
0x3d: {  	_ =	shalt  }
0x3e: {  	_ =	shalt  }
0x3f: {  	_ =	shalt  }
0x40: {  	_ =	shalt  }
0x41: {  	_ =	shalt  }
0x42: {  	_ =	shalt  }
0x43: {  	_ =	shalt  }
0x44: {  	_ =	shalt  }
0x45: {  	_ =	shalt  }
0x46: {  	_ =	shalt  }
0x47: {  	_ =	shalt  }
0x48: {  	_ =	shalt  }
0x49: {  	_ =	shalt  }
0x4a: {  	_ =	shalt  }
0x4b: {  	_ =	shalt  }
0x4c: {  	_ =	shalt  }
0x4d: {  	_ =	shalt  }
0x4e: {  	_ =	shalt  }
0x4f: {  	_ =	shalt  }
0x50: {  	_ =	shalt  }
0x51: {  	_ =	shalt  }
0x52: {  	_ =	shalt  }
0x53: {  	_ =	shalt  }
0x54: {  	_ =	shalt  }
0x55: {  	_ =	shalt  }
0x56: {  	_ =	shalt  }
0x57: {  	_ =	shalt  }
0x58: {  	_ =	shalt  }
0x59: {  	_ =	shalt  }
0x5a: {  	_ =	shalt  }
0x5b: {  	_ =	shalt  }
0x5c: {  	_ =	shalt  }
0x5d: {  	_ =	shalt  }
0x5e: {  	_ =	shalt  }
0x5f: {  	_ =	shalt  }
0x60: {  	_ =	shalt  }
0x61: {  	_ =	shalt  }
0x62: {  	_ =	shalt  }
0x63: {  	_ =	shalt  }
0x64: {  	_ =	shalt  }
0x65: {  	_ =	shalt  }
0x66: {  	_ =	shalt  }
0x67: {  	_ =	shalt  }
0x68: {  	_ =	shalt  }
0x69: {  	_ =	shalt  }
0x6a: {  	_ =	shalt  }
0x6b: {  	_ =	shalt  }
0x6c: {  	_ =	shalt  }
0x6d: {  	_ =	shalt  }
0x6e: {  	_ =	shalt  }
0x6f: {  	_ =	shalt  }
0x70: {  	_ =	shalt  }
0x71: {  	_ =	shalt  }
0x72: {  	_ =	shalt  }
0x73: {  	_ =	shalt  }
0x74: {  	_ =	shalt  }
0x75: {  	_ =	shalt  }
0x76: {  	_ =	shalt  }
0x77: {  	_ =	shalt  }
0x78: {  	_ =	shalt  }
0x79: {  	_ =	shalt  }
0x7a: {  	_ =	shalt  }
0x7b: {  	_ =	shalt  }
0x7c: {  	_ =	shalt  }
0x7d: {  	_ =	shalt  }
0x7e: {  	_ =	shalt  }
0x7f: {  	_ =	shalt  }
0x80: {  	_ =	shalt  }
0x81: {  	_ =	shalt  }
0x82: {  	_ =	shalt  }
0x83: {  	_ =	shalt  }
0x84: {  	_ =	shalt  }
0x85: {  	_ =	shalt  }
0x86: {  	_ =	shalt  }
0x87: {  	_ =	shalt  }
.Lfunc_end0:
.L_simem_size_0:
called_computation.1_lowered:
.L_overlay_start_0:
0x88: {  	s2 =	sld [smem:$0x3FD9]  }
0x89: {  	s3 =	sld [smem:$0x3FFE];
	_ =	sdelay $0x1  }
0x8a: {  	s1 =	srdreg.scid  }
0x8b: {  	s0 =	sand.u32 $0x1, s1  }
0x8c: {  	s17 =	sshll.u32 s0, $0xA;
	s2 =	sadd.s32 s3, s2  }
0x8d: {  	s2 =	sadd.s32 s2, s17  }
0x8e: {  	[smem:$0x3FC5] =	sst s2  }
0x8f: {  	_ = 	snop  }
0x90: {  	s2 =	sld [smem:$0x3FD0];
	(tm) =	ssettm $0x1  }
0x91: {  	s18 =	sld [smem:$0x3FFB];
	_ =	sdelay $0x3  }
0x92: {  	_ =	strace s18  }
0x93: {  	s3 =	sld [smem:$0x3FFC];
	_ =	sdelay $0x3  }
0x94: {  	_ =	strace s3  }
0x95: {  	s3 =	sld [smem:$0x3FFD];
	_ =	sdelay $0x3  }
0x96: {  	_ =	strace s3  }
0x97: {  	_ =	strace $0x8FFFFFFF  }
0x98: {  	s19 =	sld [smem:$0x3FDB];
	_ =	sdelay $0x1  }
0x99: {  	s4 =	simm.s32 $_scs_section_size  }
0x9a: {  	s5 =	simm.s32 $_size__tile_overlayer_lowered;
	s6 =	simm.s32 $_tile_overlayer_lowered  }
0x9b: {  	s22 =	simm.s32 $0x1BFF;
	s21 =	sshll.u32 s6, $0x1;
	s3 =	sadd.s32 s4, s19  }
0x9c: {  	s7 =	simm.s32 $0x0;
	s20 =	sshll.u32 s5, $0x1;
	s5 =	sadd.s32 s21, s3  }
0x9d: {  	[timem:s7], [sflag:s22] =	dma.local [hbm:s5], s20  }
0x9e: {  	_ =	swait.ge [sflag:s22], s20  }
0x9f: {  	s4 =	ssub.s32 $0x0, s20;
	[sflag:s22] =	ssyncset.done $0x0  }
0xa0: {  	[sflag:s22] =	ssyncadd.s32 s4;
	_ =	sdelay $0x1  }
0xa1: {  	s23 =	simm.s32 $0x1B8B  }
0xa2: {  	_ =	swait.ge [sflag:s23], $0x1  }
0xa3: {  	[sflag:s23] =	ssyncset.done $0x0  }
0xa4: {  	s25 =	simm.s32 $0x1B8E;
	s24 =	sld [smem:$0x3FFE];
	[sflag:s23] =	ssyncadd.s32 $0xFFFFFFFF  }
0xa5: {  	s26 =	simm.s32 $execute0_lowered;
	[smem:$0x3FD2] =	sst s25  }
0xa6: {  	s5 =	sshll.u32 s26, $0x1;
	_ =	strace $0x80000046;
	[dreg:$0x1] =	wrdreg $0xFFFFFFFF  }
0xa7: {  	s28 =	simm.s32 $_size_execute0_lowered;
	s3 =	sadd.s32 s3, s5;
	[dreg:$0x0] =	wrdreg $0x0  }
0xa8: {  	s5 =	sshll.u32 s28, $0x1;
	[dreg:$0x2] =	wrdreg s3  }
0xa9: {  	[dreg:$0x3] =	wrdreg s5  }
0xaa: {  	[dreg:$0x4] =	wrdreg $0xC0  }
0xab: {  	_ =	task [dreg:s7], $0x5FFFF  }
0xac: {  	[dreg:$0x1] =	wrdreg $0xFFFFFFFF  }
0xad: {  	[dreg:$0x0] =	wrdreg $0x60  }
0xae: {  	[dreg:$0x2] =	wrdreg s24  }
0xaf: {  	[dreg:$0x3] =	wrdreg s2  }
0xb0: {  	[dreg:$0x4] =	wrdreg $0x9  }
0xb1: {  	_ =	task.clear_ibuf [dreg:s7], $0x5FFFF;
	_ =	strace $0x90000046  }
0xb2: {  	s29 =	simm.s32 $0x9;
	_ =	strace $0x80000048  }
0xb3: {  	_ =	swait.ge [sflag:s29], $0x1  }
0xb4: {  	[sflag:s29] =	ssyncadd.s32 $0xFFFFFFFF  }
0xb5: {  	_ =	strace $0x90000048  }
0xb6: {  	_ =	sfence  }
0xb7: {  	s30 =	sld [smem:$0x0];
	_ =	sdelay $0x2  }
0xb8: {  	s31 =	sshll.u32 s1, $0xD;
	s1 =	sshrl.u32 s1, $0x2  }
0xb9: {  	s3 =	sand.u32 $0x4000, s31;
	s1 =	sadd.s32 s1, s30  }
0xba: {  	s0 =	sor.u32 s3, s0;
	s1 =	sshll.u32 s1, $0x11  }
0xbb: {  	s0 =	sor.u32 s1, s0  }
0xbc: {  	s0 =	sadd.s32 $0x8F2B, s0  }
0xbd: {  	[sflag:s0] =	ssyncadd.remote.s32 $0x1  }
0xbe: {  	_ =	sfence.sel $0xFFFF  }
0xbf: {  	[dreg:$0x0] =	wrdreg $0xFFFFFFFF;
	(pc) =	sbr.abs _section_cstart, $3  }
0xc0: {  	[dreg:$0x1] =	wrdreg $0xFFFFFFFF  }
0xc1: {  	_ =	task.clear_ibuf [dreg:s7], $0x2FFFF;
	_ =	strace $0x9FFFFFFF  }
0xc2: {  	(tm) =	ssettm $0x7FFFFFFF  }
0xc3: {  	_ =	shalt  }
tec
execute0_lowered:
.L_overlay_start_1:
0x0: {  	(tag) =	ssettag $0x1  }
0x1: {  	s0 =	srdreg.scid  }
0x2: {  	s2 =	stileid.u32;
	s1 =	rddreg [dreg:$0x0];
	s11 =	simm.s32 $0x80  }
0x3: {  	s12 =	simm.s32 $0x6400;
	s13 =	simm.s32 $0x7400;
	s15 =	simm.s32 $0x8400  }
0x4: {  	s17 =	simm.s32 $0x9400;
	s19 =	simm.s32 $0xA400;
	s21 =	simm.s32 $0xB400  }
0x5: {  	s23 =	simm.s32 $0xC400;
	s25 =	simm.s32 $0xD400;
	s26 =	simm.s32 $0x3  }
0x6: {  	s28 =	simm.s32 $0x2;
	s29 =	simm.s32 $0xE400;
	s30 =	simm.s32 $0x4  }
0x7: {  	s10 =	simm.s32 $0x12400;
	s14 =	simm.s32 $0x13400;
	s16 =	simm.s32 $0x14400  }
0x8: {  	s18 =	simm.s32 $0x15400;
	s0 =	sand.u32 $0x1, s0;
	s3 =	sshll.u32 s2, $0x1  }
0x9: {  	s2 =	rddreg [dreg:$0x1];
	s5 =	sor.u32 s0, s3;
	s0 =	ssub.s32 $0x2, s0  }
0xa: {  	s3 =	simm.s32 $0x0;
	s4 =	smul.u32 $0xC80, s5;
	s6 =	sshrl.u32 s0, $0x1  }
.Ltmp0:
0xb: {  	[smem:$0x7FF] =	sst s3;
	s0 =	ssub.s32 s0, s6;
	(pc) =	sbr.rel .LBB2_1-.Ltmp0, $4  }
0xc: {  	s7 =	sadd.s32 s4, s1;
	s4 =	sadd.s32 $0x19C00, s1;
	s1 =	sadd.s32 $0x800, s1  }
0xd: {  	_ =	strace $0x80000047;
	s0 =	smax.u32 s0, $0x1;
	[dreg:$0x3] =	wrdreg s1  }
0xe: {  	s20 =	simm.s32 $0x1;
	s31 =	sadd.s32 $0xC00, s7;
	[dreg:$0x5] =	wrdreg s0  }
0xf: {  	s22 =	simm.s32 $0x0;
	s6 =	smul.u32 $0x6400, s5;
	[dreg:$0x4] =	wrdreg s31  }
.LBB2_14:
0x10: {  	_ =	swait.ge [sflag:s30], $0x8000  }
0x11: {  	[sflag:s30] =	ssyncset.done $0x0  }
0x12: {  	[sflag:s30] =	ssyncadd.s32 $0xFFFF8000  }
0x13: {  	_ =	swait.ge [sflag:s26], $0x8000  }
0x14: {  	s22 =	sadd.s32 $0x1, s22;
	s0 =	rddreg [dreg:$0x5]  }
0x15: {  	p0 =	sne.s32 s22, s0  }
.Ltmp1:
0x16: {  	_ = 	snop;
	(pc) =	sbr.rel @!p0 .LBB2_15-.Ltmp1, $3  }
0x17: {  	_ =	sdelay $0x1  }
0x18: {  	[sflag:s26] =	ssyncset.done $0x0  }
0x19: {  	[sflag:s26] =	ssyncadd.s32 $0xFFFF8000  }
.LBB2_1:
0x1a: {  	s0 =	rddreg [dreg:$0x4];
	s1 =	simm.s32 $0x5  }
0x1b: {  	[tilespmem:s3], [sflag:$0x5] =	stream.linear.gather [hbm4b:s0+s3], $0x6400, $0x38;
	[tilespmem:$0x17D00] =	vst v63  }
0x1c: {  	_ =	swait.ge [sflag:s1], $0x6400  }
0x1d: {  	[sflag:s1] =	ssyncset.done $0x0  }
0x1e: {  	s5 =	simm.s32 $0x16400;
	s31 =	rddreg [dreg:$0x3];
	[sflag:s1] =	ssyncadd.s32 $0xFFFF9C00  }
0x1f: {  	[tilespmem:s5], [sflag:$0x5] =	stream.linear.gather [hbm4b:s31+s3], $0x1900, $0x38;
	[tilespmem:$0x17D00] =	vst v63  }
0x20: {  	_ =	swait.ge [sflag:s1], $0x1900  }
0x21: {  	[sflag:s1] =	ssyncset.done $0x0  }
0x22: {  	[sflag:s1] =	ssyncadd.s32 $0xFFFFE700  }
0x23: {  	[tilespmem:s12], [sflag:$0x1] =	stream.indirect.gather [hbm4b:s4+s11], $0x20, s3, s11, $0xb8;
	[tilespmem:$0x17D00] =	vst v63  }
0x24: {  	_ = 	snop  }
0x25: {  	[tilespmem:s13], [sflag:$0x1] =	stream.indirect.gather [hbm4b:s4+s11], $0x20, s11, s11, $0xb8;
	[tilespmem:$0x17D00] =	vst v63  }
0x26: {  	s5 =	simm.s32 $0x100  }
0x27: {  	[tilespmem:s15], [sflag:$0x1] =	stream.indirect.gather [hbm4b:s4+s11], $0x20, s5, s11, $0xb8;
	[tilespmem:$0x17D00] =	vst v63  }
0x28: {  	s7 =	simm.s32 $0x180  }
0x29: {  	[tilespmem:s17], [sflag:$0x1] =	stream.indirect.gather [hbm4b:s4+s11], $0x20, s7, s11, $0xb8;
	[tilespmem:$0x17D00] =	vst v63  }
0x2a: {  	s8 =	simm.s32 $0x200  }
0x2b: {  	[tilespmem:s19], [sflag:$0x1] =	stream.indirect.gather [hbm4b:s4+s11], $0x20, s8, s11, $0xb8;
	[tilespmem:$0x17D00] =	vst v63  }
0x2c: {  	s9 =	simm.s32 $0x280  }
0x2d: {  	[tilespmem:s21], [sflag:$0x1] =	stream.indirect.gather [hbm4b:s4+s11], $0x20, s9, s11, $0xb8;
	[tilespmem:$0x17D00] =	vst v63  }
.Ltmp2:
0x2e: {  	_ = 	snop;
	(pc) =	sbr.rel .LBB2_2-.Ltmp2, $4  }
0x2f: {  	s24 =	simm.s32 $0x300  }
0x30: {  	[tilespmem:s23], [sflag:$0x1] =	stream.indirect.gather [hbm4b:s4+s11], $0x20, s24, s11, $0xb8;
	[tilespmem:$0x17D00] =	vst v63  }
0x31: {  	s31 =	simm.s32 $0x380;
	s24 =	simm.s32 $0x0  }
0x32: {  	[tilespmem:s25], [sflag:$0x1] =	stream.indirect.gather [hbm4b:s4+s11], $0x20, s31, s11, $0xb8;
	[tilespmem:$0x17D00] =	vst v63  }
.LBB2_9:
0x33: {  	v1 =	vld [tilespmem:s31+$0x6400];
	s0 =	sshra.s32 s1, $0x2;
	[tilespmem:s7+$0x6410] =	vst v0  }
0x34: {  	v0 =	vld [tilespmem:s0+$0x16400];
	_ =	sdelay $0x4  }
0x35: {  	v0 =	vadd.f32 v0, v1;
	_ =	sdelay $0x1  }
0x36: {  	v62 =	vld [tilespmem:s31+$0x6410];
	[tilespmem:s31+$0x6400] =	vst v0  }
0x37: {  	v63 =	vld [tilespmem:s0+$0x16410];
	_ =	sdelay $0x4  }
0x38: {  	v0 =	vadd.f32 v63, v62  }
0x39: {  	s9 =	sshll.u32 s5, $0x2  }
0x3a: {  	s0 =	sadd.s32 s2, s9;
	[tilespmem:s31+$0x6410] =	vst v0  }
0x3b: {  	[hbm4b:s0+s3] =	stream.linear.scatter [tilespmem:s12], [sflag:$0x3], $0x8000, $0x38;
	[tilespmem:$0x17D00] =	vst v63  }
.LBB2_13:
0x3c: {  	s24 =	sadd.s32 $0x1, s24  }
0x3d: {  	p0 =	sne.s32 s24, $0x19  }
.Ltmp3:
0x3e: {  	_ = 	snop;
	(pc) =	sbr.rel @!p0 .LBB2_14-.Ltmp3, $1  }
0x3f: {  	_ =	sdelay $0x3  }
.LBB2_2:
0x40: {  	s1 =	sand.u32 $0x1, s24  }
0x41: {  	p0 =	seq.s32 s1, $0x1  }
.Ltmp4:
0x42: {  	_ = 	snop;
	(pc) =	sbr.rel @!p0 .LBB2_3-.Ltmp4, $2  }
0x43: {  	_ =	sdelay $0x2  }
0x44: {  	s5 =	sshll.u32 s24, $0xA  }
0x45: {  	_ =	swait.ge [sflag:s26], $0x8000  }
0x46: {  	s0 =	sand.u32 $0x3FFFFC00, s5;
	[sflag:s26] =	ssyncset.done $0x0  }
0x47: {  	s1 =	sadd.s32 $0x400, s0;
	[sflag:s26] =	ssyncadd.s32 $0xFFFF8000  }
0x48: {  	[tilespmem:s12], [sflag:$0x1] =	stream.indirect.gather [hbm4b:s4+s11], $0x20, s1, s11, $0xb8;
	[tilespmem:$0x17D00] =	vst v63  }
0x49: {  	s8 =	sadd.s32 $0x480, s0  }
0x4a: {  	[tilespmem:s13], [sflag:$0x1] =	stream.indirect.gather [hbm4b:s4+s11], $0x20, s8, s11, $0xb8;
	[tilespmem:$0x17D00] =	vst v63  }
0x4b: {  	s9 =	sadd.s32 $0x500, s0  }
0x4c: {  	[tilespmem:s15], [sflag:$0x1] =	stream.indirect.gather [hbm4b:s4+s11], $0x20, s9, s11, $0xb8;
	[tilespmem:$0x17D00] =	vst v63  }
0x4d: {  	s7 =	sadd.s32 $0x580, s0  }
0x4e: {  	[tilespmem:s17], [sflag:$0x1] =	stream.indirect.gather [hbm4b:s4+s11], $0x20, s7, s11, $0xb8;
	[tilespmem:$0x17D00] =	vst v63  }
0x4f: {  	s8 =	sadd.s32 $0x600, s0  }
0x50: {  	[tilespmem:s19], [sflag:$0x1] =	stream.indirect.gather [hbm4b:s4+s11], $0x20, s8, s11, $0xb8;
	[tilespmem:$0x17D00] =	vst v63  }
0x51: {  	s9 =	sadd.s32 $0x680, s0  }
0x52: {  	[tilespmem:s21], [sflag:$0x1] =	stream.indirect.gather [hbm4b:s4+s11], $0x20, s9, s11, $0xb8;
	[tilespmem:$0x17D00] =	vst v63  }
0x53: {  	s7 =	sadd.s32 $0x700, s0  }
0x54: {  	[tilespmem:s23], [sflag:$0x1] =	stream.indirect.gather [hbm4b:s4+s11], $0x20, s7, s11, $0xb8;
	[tilespmem:$0x17D00] =	vst v63  }
0x55: {  	s0 =	sadd.s32 $0x780, s0  }
0x56: {  	[tilespmem:s25], [sflag:$0x1] =	stream.indirect.gather [hbm4b:s4+s11], $0x20, s0, s11, $0xb8;
	[tilespmem:$0x17D00] =	vst v63  }
0x57: {  	_ =	swait.ge [sflag:s28], $0x1000  }
0x58: {  	[sflag:s28] =	ssyncset.done $0x0  }
0x59: {  	[sflag:s28] =	ssyncadd.s32 $0xFFFFF000  }
0x5a: {  	_ =	swait.ge [sflag:s28], $0x1000  }
0x5b: {  	[sflag:s28] =	ssyncset.done $0x0  }
0x5c: {  	[sflag:s28] =	ssyncadd.s32 $0xFFFFF000  }
0x5d: {  	_ =	swait.ge [sflag:s28], $0x1000  }
0x5e: {  	[sflag:s28] =	ssyncset.done $0x0  }
0x5f: {  	[sflag:s28] =	ssyncadd.s32 $0xFFFFF000  }
0x60: {  	_ =	swait.ge [sflag:s28], $0x1000  }
0x61: {  	[sflag:s28] =	ssyncset.done $0x0  }
0x62: {  	[sflag:s28] =	ssyncadd.s32 $0xFFFFF000  }
0x63: {  	_ =	swait.ge [sflag:s28], $0x1000  }
0x64: {  	[sflag:s28] =	ssyncset.done $0x0  }
0x65: {  	[sflag:s28] =	ssyncadd.s32 $0xFFFFF000  }
0x66: {  	_ =	swait.ge [sflag:s28], $0x1000  }
0x67: {  	s5 =	sadd.s32 s6, s5;
	[sflag:s28] =	ssyncset.done $0x0  }
0x68: {  	s8 =	smulhi.u32 $0x51EB851F, s5;
	[sflag:s28] =	ssyncadd.s32 $0xFFFFF000  }
0x69: {  	_ =	swait.ge [sflag:s28], $0x1000  }
0x6a: {  	s0 =	sshrl.u32 s8, $0x6;
	[sflag:s28] =	ssyncset.done $0x0  }
0x6b: {  	s0 =	smul.u32 $0xC8, s0;
	[sflag:s28] =	ssyncadd.s32 $0xFFFFF000  }
0x6c: {  	_ =	swait.ge [sflag:s28], $0x1000  }
0x6d: {  	s0 =	ssub.s32 s5, s0;
	[sflag:s28] =	ssyncset.done $0x0  }
0x6e: {  	s7 =	simm.s32 $0x0;
	s9 =	sshll.u32 s0, $0x7;
	[sflag:s28] =	ssyncadd.s32 $0xFFFFF000  }
0x6f: {  	s1 =	sshra.s32 s9, $0x2;
	v0 =	vld [tilespmem:s7+$0xE400]  }
0x70: {  	v1 =	vld [tilespmem:s1+$0x16400];
	_ =	sdelay $0x4  }
0x71: {  	v0 =	vadd.f32 v1, v0;
	_ =	sdelay $0x1  }
0x72: {  	[tilespmem:s7+$0xE400] =	vst v0;
	v0 =	vld [tilespmem:s7+$0xE410]  }
0x73: {  	v1 =	vld [tilespmem:s1+$0x16410];
	_ =	sdelay $0x1  }
0x74: {  	s8 =	sadd.s32 $0x1, s0  }
0x75: {  	p0 =	seq.s32 s8, $0xC8  }
0x76: {  	s8 =	simm.s32 @p0 $0x0  }
0x77: {  	s31 =	simm.s32 $0x20;
	s9 =	simm.s32 $0x100;
	s1 =	sshll.u32 s8, $0x7;
	v0 =	vadd.f32 v1, v0  }
.LBB2_11:
0x78: {  	p0 =	sne.s32 s9, $0x1FF80;
	s0 =	sshra.s32 s1, $0x2  }
0x79: {  	v1 =	vld [tilespmem:s31+$0xE400];
	[tilespmem:s7+$0xE410] =	vst v0;
	s1 =	smov.u32 s9;
	s9 =	sadd.s32 $0x80, s9;
	s7 =	smov.u32 s31  }
0x7a: {  	v0 =	vld [tilespmem:s0+$0x16400];
	_ =	sdelay $0x4  }
0x7b: {  	v0 =	vadd.f32 v0, v1;
	_ =	sdelay $0x1  }
0x7c: {  	[tilespmem:s7+$0xE400] =	vst v0;
	v0 =	vld [tilespmem:s7+$0xE410]  }
0x7d: {  	v1 =	vld [tilespmem:s0+$0x16410];
	_ =	sdelay $0x1  }
.Ltmp5:
0x7e: {  	(pc) =	sbr.rel @p0 .LBB2_11-.Ltmp5, $4  }
0x7f: {  	s8 =	sadd.s32 $0x1, s8  }
0x80: {  	p1 =	seq.s32 s8, $0xC8  }
0x81: {  	s8 =	simm.s32 @p1 $0x0;
	v0 =	vadd.f32 v1, v0  }
0x82: {  	s31 =	sshra.s32 s1, $0x2;
	s1 =	sshll.u32 s8, $0x7  }
0x83: {  	v1 =	vld [tilespmem:s31+$0xE400];
	s0 =	sshra.s32 s1, $0x2;
	[tilespmem:s7+$0xE410] =	vst v0  }
0x84: {  	v0 =	vld [tilespmem:s0+$0x16400];
	_ =	sdelay $0x4  }
0x85: {  	v0 =	vadd.f32 v0, v1;
	_ =	sdelay $0x1  }
0x86: {  	v62 =	vld [tilespmem:s31+$0xE410];
	[tilespmem:s31+$0xE400] =	vst v0  }
0x87: {  	v63 =	vld [tilespmem:s0+$0x16410];
	_ =	sdelay $0x3  }
.Ltmp6:
0x88: {  	_ = 	snop;
	(pc) =	sbr.rel .LBB2_13-.Ltmp6, $4  }
0x89: {  	v0 =	vadd.f32 v63, v62  }
0x8a: {  	s9 =	sshll.u32 s5, $0x2  }
0x8b: {  	s0 =	sadd.s32 s2, s9;
	[tilespmem:s31+$0xE410] =	vst v0  }
0x8c: {  	[hbm4b:s0+s3] =	stream.linear.scatter [tilespmem:s29], [sflag:$0x4], $0x8000, $0x38;
	[tilespmem:$0x17D00] =	vst v63  }
.LBB2_3:
0x8d: {  	p0 =	seq.s32 s24, $0x0  }
.Ltmp7:
0x8e: {  	_ = 	snop;
	(pc) =	sbr.rel @p0 .LBB2_6-.Ltmp7, $1  }
0x8f: {  	_ =	sdelay $0x3  }
0x90: {  	p0 =	seq.s32 s24, $0x18  }
.Ltmp8:
0x91: {  	_ = 	snop;
	(pc) =	sbr.rel @p0 .LBB2_7-.Ltmp8, $1  }
0x92: {  	_ =	sdelay $0x3  }
0x93: {  	_ =	swait.ge [sflag:s30], $0x8000  }
0x94: {  	[sflag:s30] =	ssyncset.done $0x0  }
0x95: {  	[sflag:s30] =	ssyncadd.s32 $0xFFFF8000  }
.LBB2_6:
0x96: {  	s1 =	sand.u32 $0x3FFFFC00, s5  }
0x97: {  	s7 =	sadd.s32 $0x400, s1  }
0x98: {  	[tilespmem:s29], [sflag:$0x2] =	stream.indirect.gather [hbm4b:s4+s11], $0x20, s7, s11, $0xb8;
	[tilespmem:$0x17D00] =	vst v63  }
0x99: {  	s0 =	simm.s32 $0xF400;
	s31 =	sadd.s32 $0x480, s1  }
0x9a: {  	[tilespmem:s0], [sflag:$0x2] =	stream.indirect.gather [hbm4b:s4+s11], $0x20, s31, s11, $0xb8;
	[tilespmem:$0x17D00] =	vst v63  }
0x9b: {  	s8 =	simm.s32 $0x10400;
	s0 =	sadd.s32 $0x500, s1  }
0x9c: {  	[tilespmem:s8], [sflag:$0x2] =	stream.indirect.gather [hbm4b:s4+s11], $0x20, s0, s11, $0xb8;
	[tilespmem:$0x17D00] =	vst v63  }
0x9d: {  	s9 =	sadd.s32 $0x580, s1;
	s31 =	simm.s32 $0x11400  }
0x9e: {  	[tilespmem:s31], [sflag:$0x2] =	stream.indirect.gather [hbm4b:s4+s11], $0x20, s9, s11, $0xb8;
	[tilespmem:$0x17D00] =	vst v63  }
0x9f: {  	s8 =	sadd.s32 $0x600, s1  }
0xa0: {  	[tilespmem:s10], [sflag:$0x2] =	stream.indirect.gather [hbm4b:s4+s11], $0x20, s8, s11, $0xb8;
	[tilespmem:$0x17D00] =	vst v63  }
0xa1: {  	s9 =	sadd.s32 $0x680, s1  }
0xa2: {  	[tilespmem:s14], [sflag:$0x2] =	stream.indirect.gather [hbm4b:s4+s11], $0x20, s9, s11, $0xb8;
	[tilespmem:$0x17D00] =	vst v63  }
0xa3: {  	s31 =	sadd.s32 $0x700, s1  }
0xa4: {  	[tilespmem:s16], [sflag:$0x2] =	stream.indirect.gather [hbm4b:s4+s11], $0x20, s31, s11, $0xb8;
	[tilespmem:$0x17D00] =	vst v63  }
0xa5: {  	s1 =	sadd.s32 $0x780, s1  }
0xa6: {  	[tilespmem:s18], [sflag:$0x2] =	stream.indirect.gather [hbm4b:s4+s11], $0x20, s1, s11, $0xb8;
	[tilespmem:$0x17D00] =	vst v63  }
.LBB2_7:
0xa7: {  	_ =	swait.ge [sflag:s20], $0x1000  }
0xa8: {  	[sflag:s20] =	ssyncset.done $0x0  }
0xa9: {  	[sflag:s20] =	ssyncadd.s32 $0xFFFFF000  }
0xaa: {  	_ =	swait.ge [sflag:s20], $0x1000  }
0xab: {  	[sflag:s20] =	ssyncset.done $0x0  }
0xac: {  	[sflag:s20] =	ssyncadd.s32 $0xFFFFF000  }
0xad: {  	_ =	swait.ge [sflag:s20], $0x1000  }
0xae: {  	[sflag:s20] =	ssyncset.done $0x0  }
0xaf: {  	[sflag:s20] =	ssyncadd.s32 $0xFFFFF000  }
0xb0: {  	_ =	swait.ge [sflag:s20], $0x1000  }
0xb1: {  	[sflag:s20] =	ssyncset.done $0x0  }
0xb2: {  	[sflag:s20] =	ssyncadd.s32 $0xFFFFF000  }
0xb3: {  	_ =	swait.ge [sflag:s20], $0x1000  }
0xb4: {  	[sflag:s20] =	ssyncset.done $0x0  }
0xb5: {  	[sflag:s20] =	ssyncadd.s32 $0xFFFFF000  }
0xb6: {  	_ =	swait.ge [sflag:s20], $0x1000  }
0xb7: {  	s5 =	sadd.s32 s6, s5;
	[sflag:s20] =	ssyncset.done $0x0  }
0xb8: {  	s1 =	smulhi.u32 $0x51EB851F, s5;
	[sflag:s20] =	ssyncadd.s32 $0xFFFFF000  }
0xb9: {  	_ =	swait.ge [sflag:s20], $0x1000  }
0xba: {  	s1 =	sshrl.u32 s1, $0x6;
	[sflag:s20] =	ssyncset.done $0x0  }
0xbb: {  	s1 =	smul.u32 $0xC8, s1;
	[sflag:s20] =	ssyncadd.s32 $0xFFFFF000  }
0xbc: {  	_ =	swait.ge [sflag:s20], $0x1000  }
0xbd: {  	s1 =	ssub.s32 s5, s1;
	[sflag:s20] =	ssyncset.done $0x0  }
0xbe: {  	s7 =	simm.s32 $0x0;
	s8 =	sshll.u32 s1, $0x7;
	[sflag:s20] =	ssyncadd.s32 $0xFFFFF000  }
0xbf: {  	s8 =	sshra.s32 s8, $0x2;
	v0 =	vld [tilespmem:s7+$0x6400]  }
0xc0: {  	v1 =	vld [tilespmem:s8+$0x16400];
	_ =	sdelay $0x4  }
0xc1: {  	v0 =	vadd.f32 v1, v0;
	_ =	sdelay $0x1  }
0xc2: {  	[tilespmem:s7+$0x6400] =	vst v0;
	v0 =	vld [tilespmem:s7+$0x6410]  }
0xc3: {  	v1 =	vld [tilespmem:s8+$0x16410];
	_ =	sdelay $0x1  }
0xc4: {  	s8 =	sadd.s32 $0x1, s1  }
0xc5: {  	p0 =	seq.s32 s8, $0xC8  }
0xc6: {  	s8 =	simm.s32 @p0 $0x0  }
0xc7: {  	s9 =	simm.s32 $0x100;
	s31 =	simm.s32 $0x20;
	s1 =	sshll.u32 s8, $0x7;
	v0 =	vadd.f32 v1, v0  }
.LBB2_8:
0xc8: {  	p0 =	sne.s32 s9, $0x1FF80;
	s1 =	sshra.s32 s1, $0x2  }
0xc9: {  	v1 =	vld [tilespmem:s31+$0x6400];
	[tilespmem:s7+$0x6410] =	vst v0;
	s0 =	smov.u32 s9;
	s9 =	sadd.s32 $0x80, s9;
	s7 =	smov.u32 s31  }
0xca: {  	v0 =	vld [tilespmem:s1+$0x16400];
	_ =	sdelay $0x4  }
0xcb: {  	v0 =	vadd.f32 v0, v1;
	_ =	sdelay $0x1  }
0xcc: {  	[tilespmem:s7+$0x6400] =	vst v0;
	v0 =	vld [tilespmem:s7+$0x6410]  }
0xcd: {  	v1 =	vld [tilespmem:s1+$0x16410];
	_ =	sdelay $0x1  }
.Ltmp9:
0xce: {  	(pc) =	sbr.rel @p0 .LBB2_8-.Ltmp9, $4  }
0xcf: {  	s8 =	sadd.s32 $0x1, s8  }
0xd0: {  	p1 =	seq.s32 s8, $0xC8  }
0xd1: {  	s8 =	simm.s32 @p1 $0x0;
	v0 =	vadd.f32 v1, v0  }
0xd2: {  	s31 =	sshra.s32 s0, $0x2;
	s1 =	sshll.u32 s8, $0x7  }
.Ltmp10:
0xd3: {  	_ = 	snop;
	(pc) =	sbr.rel .LBB2_9-.Ltmp10, $1  }
0xd4: {  	_ =	sdelay $0x3  }
.LBB2_15:
0xd5: {  	_ =	sfence.sel $0x180000  }
0xd6: {  	[bflag:$0x0] =	sbarrier.arrive $0xFFFF  }
0xd7: {  	_ =	strace $0x90000047  }
0xd8: {  	s0 =	stileid.u32;
	[bflag:$0x2] =	sbarrier.arrive $0xFFFF  }
0xd9: {  	p0 =	sne.s32 s0, $0x0;
	s0 =	rddreg [dreg:$0x2]  }
0xda: {  	s0 =	sadd.s32 @!p0 $0x100000, s0  }
0xdb: {  	[sflag:s0] =	ssyncadd.tile.s32 @!p0 $0x1;
	_ =	shalt  }
.Lfunc_end2:
_tile_overlayer_lowered:
.L_overlay_start_2:
0xdc: {  	(tag) =	ssettag $0x2  }
0xdd: {  	s0 =	rddreg [dreg:$0x0];
	s2 =	stileid.u32  }
0xde: {  	s1 =	rddreg [dreg:$0x1];
	p0 =	sne.s32 s2, $0x0  }
0xdf: {  	s3 =	rddreg [dreg:$0x2];
	[bflag:$0x3] =	sbarrier.arrive $0xFFFF;
	s2 =	simm.s32 @!p0 $0x1C05  }
0xe0: {  	[timem:s3], [sflag:s2] =	dma.local @!p0 [hbm:s0], s1  }
0xe1: {  	s0 =	simm.s32 @!p0 $0x5  }
0xe2: {  	_ =	swait.ge @!p0 [sflag:s0], s1  }
0xe3: {  	s1 =	ssub.s32 @!p0 $0x0, s1;
	[sflag:s0] =	ssyncset.done @!p0 $0x0  }
0xe4: {  	[sflag:s0] =	ssyncadd.s32 @!p0 s1  }
0xe5: {  	[bflag:$0x3] =	sbarrier.arrive $0xFFFF  }
0xe6: {  	_ =	shalt  }

// kernel: sparse-core-data-format-call.cloned.1.call-start
scs
called_computation_lowered:
.L_overlay_start_0:
0x0: {  	s2 =	sld [smem:$0x3FD9]  }
0x1: {  	s3 =	sld [smem:$0x3FFE];
	_ =	sdelay $0x1  }
0x2: {  	s1 =	srdreg.scid  }
0x3: {  	s0 =	sand.u32 $0x1, s1  }
0x4: {  	s18 =	sshll.u32 s0, $0xA;
	s2 =	sadd.s32 s3, s2  }
0x5: {  	s2 =	sadd.s32 s2, s18  }
0x6: {  	[smem:$0x3FC5] =	sst s2  }
0x7: {  	_ = 	snop  }
0x8: {  	s2 =	sld [smem:$0x3FD0];
	(tm) =	ssettm $0x1  }
0x9: {  	s19 =	sld [smem:$0x3FFB];
	_ =	sdelay $0x3  }
0xa: {  	_ =	strace s19  }
0xb: {  	s3 =	sld [smem:$0x3FFC];
	_ =	sdelay $0x3  }
0xc: {  	_ =	strace s3  }
0xd: {  	s3 =	sld [smem:$0x3FFD];
	_ =	sdelay $0x3  }
0xe: {  	_ =	strace s3  }
0xf: {  	_ =	strace $0x8FFFFFFF  }
0x10: {  	s20 =	sld [smem:$0x3FDB];
	_ =	sdelay $0x1  }
0x11: {  	s4 =	simm.s32 $_scs_section_size  }
0x12: {  	s5 =	simm.s32 $_size__tile_overlayer_lowered;
	s6 =	simm.s32 $_tile_overlayer_lowered  }
0x13: {  	s23 =	simm.s32 $0x1BFF;
	s22 =	sshll.u32 s6, $0x1;
	s3 =	sadd.s32 s4, s20  }
0x14: {  	s7 =	simm.s32 $0x0;
	s21 =	sshll.u32 s5, $0x1;
	s5 =	sadd.s32 s22, s3  }
0x15: {  	[timem:s7], [sflag:s23] =	dma.local [hbm:s5], s21  }
0x16: {  	_ =	swait.ge [sflag:s23], s21  }
0x17: {  	s4 =	ssub.s32 $0x0, s21;
	[sflag:s23] =	ssyncset.done $0x0  }
0x18: {  	[sflag:s23] =	ssyncadd.s32 s4;
	_ =	sdelay $0x1  }
0x19: {  	s24 =	simm.s32 $0x1B8B  }
0x1a: {  	_ =	swait.ge [sflag:s24], $0x1  }
0x1b: {  	[sflag:s24] =	ssyncset.done $0x0  }
0x1c: {  	s26 =	simm.s32 $0x1B8E;
	s25 =	sld [smem:$0x3FFE];
	[sflag:s24] =	ssyncadd.s32 $0xFFFFFFFF  }
0x1d: {  	s27 =	simm.s32 $execute0_lowered;
	[smem:$0x3FD2] =	sst s26  }
0x1e: {  	s5 =	sshll.u32 s27, $0x1;
	_ =	strace $0x80000049;
	[dreg:$0x1] =	wrdreg $0xFFFFFFFF  }
0x1f: {  	s28 =	simm.s32 $_size_execute0_lowered;
	s3 =	sadd.s32 s3, s5;
	[dreg:$0x0] =	wrdreg $0x0  }
0x20: {  	s5 =	sshll.u32 s28, $0x1;
	[dreg:$0x2] =	wrdreg s3  }
0x21: {  	[dreg:$0x3] =	wrdreg s5  }
0x22: {  	[dreg:$0x4] =	wrdreg $0xC0  }
0x23: {  	_ =	task [dreg:s7], $0x5FFFF  }
0x24: {  	[dreg:$0x1] =	wrdreg $0xFFFFFFFF  }
0x25: {  	[dreg:$0x0] =	wrdreg $0x60  }
0x26: {  	[dreg:$0x2] =	wrdreg s25  }
0x27: {  	[dreg:$0x3] =	wrdreg s2  }
0x28: {  	[dreg:$0x4] =	wrdreg $0x9  }
0x29: {  	_ =	task.clear_ibuf [dreg:s7], $0x5FFFF;
	_ =	strace $0x90000049  }
0x2a: {  	s29 =	simm.s32 $0x9;
	_ =	strace $0x8000004B  }
0x2b: {  	_ =	swait.ge [sflag:s29], $0x1  }
0x2c: {  	[sflag:s29] =	ssyncadd.s32 $0xFFFFFFFF  }
0x2d: {  	_ =	strace $0x9000004B  }
0x2e: {  	_ =	sfence  }
0x2f: {  	s30 =	sld [smem:$0x0];
	_ =	sdelay $0x2  }
0x30: {  	s31 =	sshll.u32 s1, $0xD;
	s1 =	sshrl.u32 s1, $0x2  }
0x31: {  	s3 =	sand.u32 $0x4000, s31;
	s1 =	sadd.s32 s1, s30  }
0x32: {  	s0 =	sor.u32 s3, s0;
	s1 =	sshll.u32 s1, $0x11  }
0x33: {  	s0 =	sor.u32 s1, s0  }
0x34: {  	s0 =	sadd.s32 $0x8F2B, s0  }
0x35: {  	[sflag:s0] =	ssyncadd.remote.s32 $0x1  }
0x36: {  	_ =	sfence.sel $0xFFFF  }
0x37: {  	[dreg:$0x0] =	wrdreg $0xFFFFFFFF;
	(pc) =	sbr.abs _section_cstart, $3  }
0x38: {  	[dreg:$0x1] =	wrdreg $0xFFFFFFFF  }
0x39: {  	_ =	task.clear_ibuf [dreg:s7], $0x2FFFF;
	_ =	strace $0x9FFFFFFF  }
0x3a: {  	(tm) =	ssettm $0x7FFFFFFF  }
0x3b: {  	_ =	shalt  }
tec
execute0_lowered:
.L_overlay_start_1:
0x0: {  	(tag) =	ssettag $0x1  }
0x1: {  	s0 =	srdreg.scid  }
0x2: {  	s1 =	sshll.u32 s0, $0x4  }
0x3: {  	s0 =	stileid.u32;
	s1 =	sand.u32 $0x10, s1  }
0x4: {  	s1 =	sor.u32 s0, s1  }
0x5: {  	s6 =	rddreg [dreg:$0x0];
	s4 =	simm.s32 $0x1;
	s2 =	sshll.u32 s1, $0x7  }
0x6: {  	s7 =	simm.s32 $0x2;
	s12 =	simm.s32 $0x0;
	s1 =	ssub.s32 $0x1000, s2  }
0x7: {  	s8 =	simm.s32 $0x8000;
	s13 =	simm.s32 $0x0;
	s3 =	sand.u32 $0xF80, s1  }
0x8: {  	s9 =	simm.s32 $0x0;
	s5 =	sshrl.u32 s1, $0xC;
	p0 =	sne.s32 s3, $0x0  }
.Ltmp0:
0x9: {  	s1 =	rddreg [dreg:$0x2];
	s4 =	simm.s32 @!p0 $0x0;
	(pc) =	sbr.rel .LBB1_1-.Ltmp0, $4  }
0xa: {  	s11 =	simm.s32 $0x0;
	s3 =	rddreg [dreg:$0x1];
	s5 =	sadd.s32 s4, s5  }
0xb: {  	_ =	strace $0x8000004A;
	s4 =	simm.s32 $0x1;
	s5 =	smul.u32 $0xC8, s5  }
0xc: {  	s6 =	sadd.s32 $0x800, s6;
	s10 =	smov.u32 s2;
	[sflag:s4] =	ssyncpa.u1 $0x0  }
0xd: {  	p0 =	por $0x0, $0x0;
	[sflag:s7] =	ssyncpa.u1 $0x0;
	s7 =	sor.u32 $0x1, s5  }
.LBB1_4:
0xe: {  	s16 =	sshll.u32 s13, $0x3;
	s17 =	sand.u32 $0x78, s13  }
0xf: {  	s30 =	sand.u32 $0x3E00, s13;
	s12 =	sshll.u32 s12, $0xE;
	s16 =	sand.u32 $0xC00, s16  }
0x10: {  	s31 =	sand.u32 $0x7, s13;
	s16 =	sor.u32 s17, s16;
	s17 =	sadd.s32 s3, s30  }
0x11: {  	s13 =	sshll.u32 s31, $0x12;
	s16 =	sshrl.u32 s16, $0x3;
	s12 =	sadd.s32 s12, s17  }
0x12: {  	[tilespmem:s15+$0x0 ss:$0x81] =	vst.msk $0xffff, v0;
	s13 =	sor.u32 $0x400, s13;
	s12 =	sadd.s32 s16, s12  }
0x13: {  	[hbm4b:s12+s13] =	stream.strided.scatter [tilespmem:s14], [sflag:$0x2], $0x1000, s8, s13, $0x20;
	[tilespmem:$0x4040] =	vst v63  }
.LBB1_5:
0x14: {  	s14 =	sadd.s32 $0x1, s9  }
0x15: {  	s12 =	sadd.s32 $0x1000, s10;
	s16 =	smov.u32 s10;
	p2 =	sgt.s32 s14, $0xC7  }
0x16: {  	s16 =	smov.u32 @p2 s12  }
0x17: {  	s14 =	simm.s32 @p2 $0x0;
	p2 =	sgt.s32 s16, $0xFFF  }
0x18: {  	s16 =	smov.u32 @p2 s2;
	p2 =	sne.s32 s11, s7  }
.Ltmp1:
0x19: {  	p1 =	slt.u32 s11, $0x2;
	(pc) =	sbr.rel @!p2 .LBB1_6-.Ltmp1, $4  }
0x1a: {  	s15 =	simm.s32 @!p1 $0x2  }
0x1b: {  	s13 =	smov.u32 s10;
	p0 =	por !p0, !p0;
	_ =	swait.ge @!p1 [sflag:s15], $0x1000  }
0x1c: {  	s12 =	smov.u32 s9;
	[sflag:s15] =	ssyncset.done @!p1 $0x0;
	s9 =	smov.u32 s14  }
0x1d: {  	s11 =	sadd.s32 $0x1, s11;
	[sflag:s15] =	ssyncadd.s32 @!p1 $0xFFFFF000;
	s10 =	smov.u32 s16  }
.LBB1_1:
0x1e: {  	p1 =	sge.u32 s11, s5  }
0x1f: {  	s14 =	sand.u32 @!p1 $0x1FFFFFF, s9  }
0x20: {  	s15 =	smulhi.u32 @!p1 $0x147AE15, s14;
	_ =	sdelay $0x1  }
0x21: {  	s15 =	smul.u32 @!p1 $0xC8, s15  }
0x22: {  	s16 =	sxor.u32 @!p1 $0xFFFFFFFF, s11;
	s17 =	smul.u32 @!p1 $0xC80, s10  }
0x23: {  	s31 =	sadd.s32 $0xFFFFFFFF, s11;
	s16 =	sshll.u32 @!p1 s16, $0xC;
	s14 =	ssub.s32 @!p1 s14, s15  }
0x24: {  	s15 =	sand.u32 @!p1 $0x1000, s16;
	s16 =	sadd.s32 @!p1 s6, s17;
	s14 =	sshll.u32 @!p1 s14, $0x4  }
0x25: {  	s17 =	simm.s32 @!p1 $0x6400;
	s14 =	sadd.s32 @!p1 s14, s16;
	s16 =	simm.s32 @!p1 $0x20  }
0x26: {  	[tilespmem:s15], [sflag:$0x1] =	stream.strided.gather @!p1 [hbm4b:s14+s16], $0x1000, s17, s16, $0x38;
	[tilespmem:$0x4040] =	vst v63  }
0x27: {  	p1 =	sge.u32 s31, s5  }
.Ltmp2:
0x28: {  	_ = 	snop;
	(pc) =	sbr.rel @p1 .LBB1_5-.Ltmp2, $1  }
0x29: {  	_ =	sdelay $0x3  }
0x2a: {  	s14 =	simm.s32 $0x1  }
0x2b: {  	_ =	swait.ge [sflag:s4], $0x1000;
	s14 =	simm.s32 @!p0 $0x0  }
0x2c: {  	[sflag:s4] =	ssyncset.done $0x0;
	s15 =	sshll.u32 s14, $0xC  }
0x2d: {  	[sflag:s4] =	ssyncadd.s32 $0xFFFFF000;
	s18 =	sor.u32 $0x10, s15  }
0x2e: {  	s14 =	smul.u32 $0x4080, s14;
	v1 =	vld [tilespmem:s18+$0x0]  }
0x2f: {  	s30 =	sand.u32 $0x1, s11;
	v0 =	vld [tilespmem:s18+$0xFFFFFFF0]  }
0x30: {  	s15 =	smul.u32 $0x4080, s30;
	s14 =	sshrl.u32 s14, $0x2  }
0x31: {  	s16 =	sor.u32 $0x2000, s14  }
0x32: {  	s31 =	sshrl.u32 s15, $0x2;
	s15 =	sadd.s32 $0x0, s16  }
0x33: {  	s17 =	simm.s32 $0x4;
	s18 =	sadd.s32 $0x20, s18;
	s14 =	sor.u32 $0x2000, s31;
	[tilespmem:s15+$0x810 ss:$0x81] =	vst.msk $0xffff, v1  }
.LBB1_3:
0x34: {  	v1 =	vld [tilespmem:s18+$0x0];
	p1 =	sne.s32 s17, $0x1FC;
	[tilespmem:s15+$0x0 ss:$0x81] =	vst.msk $0xffff, v0;
	s15 =	smov.u32 s17;
	s17 =	sadd.s32 $0x4, s17  }
.Ltmp3:
0x35: {  	v0 =	vld [tilespmem:s18+$0xFFFFFFF0];
	(pc) =	sbr.rel @p1 .LBB1_3-.Ltmp3, $4  }
0x36: {  	_ = 	snop  }
0x37: {  	s15 =	sshra.s32 s15, $0x2  }
0x38: {  	s15 =	sadd.s32 s15, s16  }
0x39: {  	s18 =	sadd.s32 $0x20, s18;
	[tilespmem:s15+$0x810 ss:$0x81] =	vst.msk $0xffff, v1  }
.Ltmp4:
0x3a: {  	_ = 	snop;
	(pc) =	sbr.rel .LBB1_4-.Ltmp4, $1  }
0x3b: {  	_ =	sdelay $0x3  }
.LBB1_6:
0x3c: {  	_ =	sfence.sel $0x180000  }
0x3d: {  	s2 =	simm.s32 $0x1;
	[bflag:$0x0] =	sbarrier.arrive $0xFFFF  }
0x3e: {  	s31 =	simm.s32 $0x2;
	[sflag:s2] =	ssyncpa.u1 $0x1  }
0x3f: {  	[sflag:s31] =	ssyncpa.u1 $0x1  }
0x40: {  	p0 =	sne.s32 s0, $0x0;
	_ =	strace $0x9000004A  }
0x41: {  	s0 =	sadd.s32 @!p0 $0x100000, s1;
	[bflag:$0x2] =	sbarrier.arrive $0xFFFF  }
0x42: {  	[sflag:s0] =	ssyncadd.tile.s32 @!p0 $0x1;
	_ =	shalt  }
.Lfunc_end1:
_tile_overlayer_lowered:
.L_overlay_start_2:
0x43: {  	(tag) =	ssettag $0x2  }
0x44: {  	s0 =	rddreg [dreg:$0x0];
	s2 =	stileid.u32  }
0x45: {  	s1 =	rddreg [dreg:$0x1];
	p0 =	sne.s32 s2, $0x0  }
0x46: {  	s3 =	rddreg [dreg:$0x2];
	[bflag:$0x3] =	sbarrier.arrive $0xFFFF;
	s2 =	simm.s32 @!p0 $0x1C01  }
0x47: {  	[timem:s3], [sflag:s2] =	dma.local @!p0 [hbm:s0], s1  }
0x48: {  	s0 =	simm.s32 @!p0 $0x1  }
0x49: {  	_ =	swait.ge @!p0 [sflag:s0], s1  }
0x4a: {  	s1 =	ssub.s32 @!p0 $0x0, s1;
	[sflag:s0] =	ssyncset.done @!p0 $0x0  }
0x4b: {  	[sflag:s0] =	ssyncadd.s32 @!p0 s1  }
0x4c: {  	[bflag:$0x3] =	sbarrier.arrive $0xFFFF  }
0x4d: {  	_ =	shalt  }

</sc_bundles>
